<compile_context>
chip_gen: v7x
topology: tpu7x:2x2x1
jax: 0.10.2.dev20260603
libtpu: 0.0.44.dev20260713+nightly
codegen_flags: <defaults>
</compile_context>

<pallas_src>
import functools

import jax
import jax.numpy as jnp
from jax import lax
from jax.experimental import pallas as pl
from jax.experimental.pallas import tpu as pltpu
from jax.experimental.pallas import tpu_sc as plsc

N = 4096
B = 8
N_POINTS = 1024
N_SAMPLES = 32
RADIUS = 0.2
BN_EPS = 1e-3


def _fps_body(x_ref, y_ref, z_ref, first_ref, cid_ref, cx_ref, cy_ref, cz_ref):
    X = x_ref[...]
    Y = y_ref[...]
    Z = z_ref[...]
    lane = jax.lax.broadcasted_iota(jnp.int32, (B, N), 1)

    def extract(oh, V):
        return jnp.sum(jnp.where(oh, V, 0.0), axis=1, keepdims=True)

    idx0 = first_ref[...]
    oh0 = lane == idx0
    px, py, pz = extract(oh0, X), extract(oh0, Y), extract(oh0, Z)
    lane128 = jax.lax.broadcasted_iota(jnp.int32, (B, 128), 1)

    def body(p, carry):
        px, py, pz, a_id, a_x, a_y, a_z, base = carry
        dx = X - px
        dy = Y - py
        dz = Z - pz
        d2 = dx * dx + dy * dy + dz * dz
        dist = jnp.sqrt(d2 + 1e-12)
        m = jnp.max(dist, axis=1, keepdims=True)
        idx = jnp.min(jnp.where(dist == m, lane, N), axis=1, keepdims=True)
        oh = lane == idx
        npx, npy, npz = extract(oh, X), extract(oh, Y), extract(oh, Z)
        sel = lane128 == (p - base)
        a_id = jnp.where(sel, idx, a_id)
        a_x = jnp.where(sel, npx, a_x)
        a_y = jnp.where(sel, npy, a_y)
        a_z = jnp.where(sel, npz, a_z)
        return (npx, npy, npz, a_id, a_x, a_y, a_z, base)

    zf = jnp.zeros((B, 128), jnp.float32)
    zi = jnp.zeros((B, 128), jnp.int32)
    sel0 = lane128 == 0
    a_id = jnp.where(sel0, idx0, zi)
    a_x = jnp.where(sel0, px, zf)
    a_y = jnp.where(sel0, py, zf)
    a_z = jnp.where(sel0, pz, zf)
    carry = (px, py, pz, a_id, a_x, a_y, a_z, jnp.int32(0))
    for c in range(N_POINTS // 128):
        base = c * 128
        lo = 1 if c == 0 else base
        px, py, pz, a_id, a_x, a_y, a_z, _ = carry
        carry = jax.lax.fori_loop(
            lo, base + 128, body,
            (px, py, pz, a_id, a_x, a_y, a_z, jnp.int32(base)))
        px, py, pz, a_id, a_x, a_y, a_z, _ = carry
        cid_ref[:, base:base + 128] = a_id
        cx_ref[:, base:base + 128] = a_x
        cy_ref[:, base:base + 128] = a_y
        cz_ref[:, base:base + 128] = a_z
        carry = (px, py, pz, zi, zf, zf, zf, jnp.int32(0))


def _fps_pallas(xs, ys, zs, first, interpret=False):
    outs = jax.ShapeDtypeStruct((B, N_POINTS), jnp.int32)
    outf = jax.ShapeDtypeStruct((B, N_POINTS), jnp.float32)
    return pl.pallas_call(
        _fps_body,
        out_shape=(outs, outf, outf, outf),
        interpret=interpret,
    )(xs, ys, zs, first)


import numpy as _np
C_CLAMP = _np.float32(RADIUS ** 2)


def _dist_body(cp_ref, xt_ref, d_ref):
    cp = cp_ref[0]
    xt = xt_ref[0]
    c2 = jnp.sum(cp * cp, axis=1, keepdims=True)
    x2 = jnp.sum(xt * xt, axis=0, keepdims=True)
    xc = lax.dot_general(
        cp.astype(jnp.bfloat16), xt.astype(jnp.bfloat16),
        (((1,), (0,)), ((), ())), preferred_element_type=jnp.float32)
    d2 = jnp.maximum((c2 + x2) - 2.0 * xc, 0.0)
    dist = jnp.sqrt(d2 + 1e-12)
    d_ref[0] = jnp.minimum(dist, C_CLAMP)


def _dist_pallas(cpad, xt):
    return pl.pallas_call(
        _dist_body,
        grid=(B, N_POINTS // 128),
        in_specs=[
            pl.BlockSpec((1, 128, 8), lambda b, t: (b, t, 0)),
            pl.BlockSpec((1, 8, N), lambda b, t: (b, 0, 0)),
        ],
        out_specs=pl.BlockSpec((1, 128, N), lambda b, t: (b, t, 0)),
        out_shape=jax.ShapeDtypeStruct((B, N_POINTS, N), jnp.float32),
    )(cpad, xt)


_NW = 32
_RPW = (B * N_POINTS) // _NW


def _sc_select_body(d_hbm, xs_hbm, ys_hbm, zs_hbm,
                    gx_hbm, gy_hbm, gz_hbm,
                    rowbuf, xs_v, ys_v, zs_v,
                    selbuf, idxbuf, valbuf,
                    outx, outy, outz, sem):
    w = lax.axis_index("s") * 2 + lax.axis_index("c")
    r0 = w * _RPW
    bb = r0 // N_POINTS
    iota16 = lax.broadcasted_iota(jnp.int32, (16,), 0)

    pltpu.sync_copy(xs_hbm.at[bb], xs_v)
    pltpu.sync_copy(ys_hbm.at[bb], ys_v)
    pltpu.sync_copy(zs_hbm.at[bb], zs_v)

    pltpu.async_copy(d_hbm.at[r0], rowbuf.at[0], sem)

    def row_step(rl, carry):
        cur = lax.rem(rl, 2)
        pltpu.make_async_copy(d_hbm.at[r0 + rl], rowbuf.at[cur], sem).wait()

        @pl.when(rl < _RPW - 1)
        def _():
            pltpu.async_copy(d_hbm.at[r0 + rl + 1], rowbuf.at[1 - cur], sem)

        def chunk(ci, q):
            d = rowbuf[cur, pl.ds(ci * 16, 16)]
            m = d < C_CLAMP
            iv = ci * 16 + iota16
            plsc.store_compressed(idxbuf.at[pl.ds(q, 16)], iv, mask=m)
            plsc.store_compressed(valbuf.at[pl.ds(q, 16)], d, mask=m)
            return q + jnp.sum(jnp.where(m, 1, 0))

        q = lax.fori_loop(0, N // 16, chunk, jnp.int32(0))

        def fill(_):
            cnt = q
            rank_base = jnp.int32(0)
            for j in range(2):
                d = rowbuf[cur, pl.ds(j * 16, 16)]
                far = d >= C_CLAMP
                fr = jnp.where(far, 1, 0)
                inc = plsc.cumsum(fr)
                rank = rank_base + (inc - fr)
                sel = far & (rank < 32 - q)
                iv = j * 16 + iota16
                plsc.store_compressed(idxbuf.at[pl.ds(cnt, 16)], iv, mask=sel)
                cnt = cnt + jnp.sum(jnp.where(sel, 1, 0))
                rank_base = rank_base + jnp.sum(fr)
            for j in range(2):
                selbuf[pl.ds(j * 16, 16)] = idxbuf[pl.ds(j * 16, 16)]
            return jnp.int32(0)

        def topk(_):
            nch = (q + 15) // 16
            big_f = jnp.float32(3.0e38)
            big_i = jnp.int32(2 ** 30)

            def pick(k, sels):
                s0, s1 = sels

                def scan(ci, st):
                    bv, bi, bp = st
                    p = ci * 16 + iota16
                    valid = p < q
                    v = jnp.where(valid, valbuf[pl.ds(ci * 16, 16)], big_f)
                    i = jnp.where(valid, idxbuf[pl.ds(ci * 16, 16)], big_i)
                    lt = (v < bv) | ((v == bv) & (i < bi))
                    return (jnp.where(lt, v, bv), jnp.where(lt, i, bi),
                            jnp.where(lt, p, bp))

                bv, bi, bp = lax.fori_loop(
                    0, nch, scan,
                    (jnp.full((16,), big_f), jnp.full((16,), big_i),
                     jnp.full((16,), big_i)))
                mv = jnp.min(bv)
                cand = bv == mv
                mi = jnp.min(jnp.where(cand, bi, big_i))
                pos = jnp.min(jnp.where(cand & (bi == mi), bp, big_i))
                s0 = jnp.where(iota16 == k, mi, s0)
                s1 = jnp.where(iota16 == (k - 16), mi, s1)
                cb = (pos // 16) * 16
                lanepos = pos - cb
                v = valbuf[pl.ds(cb, 16)]
                valbuf[pl.ds(cb, 16)] = jnp.where(iota16 == lanepos, big_f, v)
                return (s0, s1)

            s0, s1 = lax.fori_loop(
                0, 32, pick,
                (jnp.zeros((16,), jnp.int32), jnp.zeros((16,), jnp.int32)))
            selbuf[pl.ds(0, 16)] = s0
            selbuf[pl.ds(16, 16)] = s1
            return jnp.int32(0)

        lax.cond(q < 32, fill, topk, jnp.int32(0))

        for j in range(2):
            si = selbuf[pl.ds(j * 16, 16)]
            outx[rl, pl.ds(j * 16, 16)] = plsc.load_gather(xs_v, [si])
            outy[rl, pl.ds(j * 16, 16)] = plsc.load_gather(ys_v, [si])
            outz[rl, pl.ds(j * 16, 16)] = plsc.load_gather(zs_v, [si])
        return carry

    lax.fori_loop(0, _RPW, row_step, jnp.int32(0))

    pltpu.sync_copy(outx, gx_hbm.at[pl.ds(r0, _RPW)])
    pltpu.sync_copy(outy, gy_hbm.at[pl.ds(r0, _RPW)])
    pltpu.sync_copy(outz, gz_hbm.at[pl.ds(r0, _RPW)])


def _sc_select(drows, xs, ys, zs):
    og = jax.ShapeDtypeStruct((B * N_POINTS, N_SAMPLES), jnp.float32)
    mesh = plsc.VectorSubcoreMesh(core_axis_name="c", subcore_axis_name="s")
    f = pl.kernel(
        _sc_select_body,
        mesh=mesh,
        compiler_params=pltpu.CompilerParams(needs_layout_passes=False),
        out_type=(og, og, og),
        scratch_types=[
            pltpu.VMEM((2, N), jnp.float32),
            pltpu.VMEM((N,), jnp.float32),
            pltpu.VMEM((N,), jnp.float32),
            pltpu.VMEM((N,), jnp.float32),
            pltpu.VMEM((32,), jnp.int32),
            pltpu.VMEM((N + 32,), jnp.int32),
            pltpu.VMEM((N + 32,), jnp.float32),
            pltpu.VMEM((_RPW, N_SAMPLES), jnp.float32),
            pltpu.VMEM((_RPW, N_SAMPLES), jnp.float32),
            pltpu.VMEM((_RPW, N_SAMPLES), jnp.float32),
            pltpu.SemaphoreType.DMA,
        ],
    )
    return f(drows, xs, ys, zs)


_P = B * N_POINTS * N_SAMPLES
_TROWS = 1024


def _bf16_dot(z, W):
    return lax.dot_general(
        z.astype(jnp.bfloat16), W.astype(jnp.bfloat16),
        (((1,), (0,)), ((), ())), preferred_element_type=jnp.float32)


def _acc_stats(s_ref, y):
    tile = jnp.concatenate(
        [jnp.sum(y, axis=0, keepdims=True),
         jnp.sum(y * y, axis=0, keepdims=True)], axis=0)

    @pl.when(pl.program_id(0) == 0)
    def _():
        s_ref[...] = jnp.zeros_like(s_ref)

    s_ref[...] += tile


def _p1_body(x0_ref, w0_ref, b0_ref, s_ref):
    _acc_stats(s_ref, _bf16_dot(x0_ref[...], w0_ref[...]) + b0_ref[...])


def _p2_body(x0_ref, w0_ref, b0_ref, a1_ref, c1_ref, w1_ref, b1_ref,
             z1_ref, s_ref):
    y1 = _bf16_dot(x0_ref[...], w0_ref[...]) + b0_ref[...]
    z1 = jnp.maximum(y1 * a1_ref[...] + c1_ref[...], 0.0)
    z1_ref[...] = z1
    _acc_stats(s_ref, _bf16_dot(z1, w1_ref[...]) + b1_ref[...])


def _p3_body(z1_ref, w1_ref, b1_ref, a2_ref, c2_ref, w2_ref, b2_ref,
             z2_ref, s_ref):
    y2 = _bf16_dot(z1_ref[...], w1_ref[...]) + b1_ref[...]
    z2 = jnp.maximum(y2 * a2_ref[...] + c2_ref[...], 0.0)
    z2_ref[...] = z2
    _acc_stats(s_ref, _bf16_dot(z2, w2_ref[...]) + b2_ref[...])


def _p4_body(z2_ref, w2_ref, b2_ref, a3_ref, c3_ref, out_ref):
    y3 = _bf16_dot(z2_ref[...], w2_ref[...]) + b2_ref[...]
    z3 = jnp.maximum(y3 * a3_ref[...] + c3_ref[...], 0.0)
    z3 = z3.reshape(_TROWS // N_SAMPLES, N_SAMPLES, 256)
    out_ref[...] = jnp.max(z3, axis=1)


def _stat_spec(c):
    return pl.BlockSpec((1, c), lambda i: (0, 0))


def _fold(sums, gamma, beta):
    mu = sums[0:1] / _P
    var = sums[1:2] / _P - mu * mu
    a = gamma * lax.rsqrt(var + BN_EPS)
    return a, beta - mu * a


def _mlp_pallas(x0, Ws, Bs, gammas, betas):
    grid = (_P // _TROWS,)

    def rows_spec(c):
        return pl.BlockSpec((_TROWS, c), lambda i: (i, 0))

    def wspec(w):
        return pl.BlockSpec(w.shape, lambda i: (0, 0))

    def sums_out(c):
        return dict(
            out_specs=pl.BlockSpec((2, c), lambda i: (0, 0)),
            out_shape=jax.ShapeDtypeStruct((2, c), jnp.float32))

    s1 = pl.pallas_call(
        _p1_body, grid=grid,
        in_specs=[rows_spec(8), wspec(Ws[0]), _stat_spec(64)],
        **sums_out(64))(x0, Ws[0], Bs[0])
    a1, c1 = _fold(s1, gammas[0], betas[0])

    z1, s2 = pl.pallas_call(
        _p2_body, grid=grid,
        in_specs=[rows_spec(8), wspec(Ws[0]), _stat_spec(64), _stat_spec(64),
                  _stat_spec(64), wspec(Ws[1]), _stat_spec(128)],
        out_specs=(rows_spec(64), pl.BlockSpec((2, 128), lambda i: (0, 0))),
        out_shape=(jax.ShapeDtypeStruct((_P, 64), jnp.float32),
                   jax.ShapeDtypeStruct((2, 128), jnp.float32)),
    )(x0, Ws[0], Bs[0], a1, c1, Ws[1], Bs[1])
    a2, c2 = _fold(s2, gammas[1], betas[1])

    z2, s3 = pl.pallas_call(
        _p3_body, grid=grid,
        in_specs=[rows_spec(64), wspec(Ws[1]), _stat_spec(128), _stat_spec(128),
                  _stat_spec(128), wspec(Ws[2]), _stat_spec(256)],
        out_specs=(rows_spec(128), pl.BlockSpec((2, 256), lambda i: (0, 0))),
        out_shape=(jax.ShapeDtypeStruct((_P, 128), jnp.float32),
                   jax.ShapeDtypeStruct((2, 256), jnp.float32)),
    )(z1, Ws[1], Bs[1], a2, c2, Ws[2], Bs[2])
    a3, c3 = _fold(s3, gammas[2], betas[2])

    out = pl.pallas_call(
        _p4_body, grid=grid,
        in_specs=[rows_spec(128), wspec(Ws[2]), _stat_spec(256),
                  _stat_spec(256), _stat_spec(256)],
        out_specs=pl.BlockSpec((_TROWS // N_SAMPLES, 256), lambda i: (i, 0)),
        out_shape=jax.ShapeDtypeStruct((B * N_POINTS, 256), jnp.float32),
    )(z2, Ws[2], Bs[2], a3, c3)
    return out


def kernel(inputs, W0, b0, gamma0, beta0, W1, b1, gamma1, beta1, W2, b2, gamma2, beta2):
    key = jax.random.key(42)
    first = jax.random.randint(key, (B,), 0, N - 1, dtype=jnp.int32)
    xs = inputs[:, :, 0]
    ys = inputs[:, :, 1]
    zs = inputs[:, :, 2]
    cids, cx, cy, cz = _fps_pallas(xs, ys, zs, first[:, None])

    cpad = jnp.pad(jnp.stack([cx, cy, cz], axis=-1), ((0, 0), (0, 0), (0, 5)))
    xt = jnp.pad(jnp.stack([xs, ys, zs], axis=1), ((0, 0), (0, 5), (0, 0)))
    drows = _dist_pallas(cpad, xt).reshape(B * N_POINTS, N)
    gx, gy, gz = _sc_select(drows, xs, ys, zs)
    x0 = jnp.pad(
        jnp.stack([gx.reshape(-1), gy.reshape(-1), gz.reshape(-1)], axis=-1),
        ((0, 0), (0, 5)))
    Ws = [jnp.pad(W0, ((0, 5), (0, 0))), W1, W2]
    Bs = [b0[None, :], b1[None, :], b2[None, :]]
    gammas = [gamma0[None, :], gamma1[None, :], gamma2[None, :]]
    betas = [beta0[None, :], beta1[None, :], beta2[None, :]]
    out = _mlp_pallas(x0, Ws, Bs, gammas, betas)
    return out.reshape(B, N_POINTS, 256)

# --- scband reference (transcript-rebuilt; emitter-appended) ---
"""Pipeline reference for scband-set-abstraction-14559939133620 (READ-ONLY COPY).

The authoritative reference and input builder live on the scoring server;
editing this copy changes nothing except your own understanding.
"""

import jax, jax.numpy as jnp
import numpy as np

N_POINTS = 1024
N_SAMPLES = 32
RADIUS = 0.2
MLPS = [64, 128, 256]
BN_EPS = 1e-3


def fps(xyz, n_points, key):
    # Faithful port of fathest_point_sampling: start from a random point; at each
    # step pick argmax of (distance-to-last-added * running mask); mask zeroes out
    # already-selected points via min(dist*mask*1e11, mask).
    B, N, D = xyz.shape
    first = jax.random.randint(key, (B,), 0, N - 1, dtype=jnp.int32)
    cids = jnp.zeros((B, n_points), dtype=jnp.int32).at[:, 0].set(first)
    mask0 = jnp.ones((B, N), dtype=xyz.dtype)
    barange = jnp.arange(B)

    def body(i, state):
        cids, mask = state
        added_id = jax.lax.dynamic_index_in_dim(cids, i, axis=1, keepdims=False)
        added_point = xyz[barange, added_id][:, None, :]
        dist = jnp.sqrt(jnp.sum((xyz - added_point) ** 2, axis=2) + 1e-12)
        dist = dist * mask
        max_d_idx = jnp.argmax(dist, axis=1).astype(jnp.int32)
        cids = cids.at[:, i + 1].set(max_d_idx)
        mask = jnp.minimum(dist * mask * 1e11, mask)
        return (cids, mask)

    cids, _ = jax.lax.fori_loop(0, n_points - 1, body, (cids, mask0))
    return cids


def query_ball_point(radius, n_samples, xyz, cent_xyz):
    # dist[b, n, m] = ||cent_xyz[b, n] - xyz[b, m]||, computed via the dot-product
    # identity to avoid materializing the [B, n, N, 3] difference tensor.
    x2 = jnp.sum(xyz ** 2, axis=2)          # [B, N]
    c2 = jnp.sum(cent_xyz ** 2, axis=2)     # [B, n]
    xc = jnp.einsum('bnd,bmd->bnm', cent_xyz, xyz)  # [B, n, N]
    d2 = jnp.maximum(c2[:, :, None] + x2[:, None, :] - 2.0 * xc, 0.0)
    dist = jnp.sqrt(d2 + 1e-12)
    # original code compares the (unsquared) norm against radius**2 and builds the
    # clamp mask; we keep that math but use the correct broadcastable shape.
    dist = jnp.minimum(dist, radius ** 2)
    return jnp.argsort(dist, axis=2)[:, :, :n_samples]  # [B, n, n_samples]


def mlp_bn_relu(x, W, b, gamma, beta):
    # NonLinear: pointwise dense + batchnorm (training-mode batch stats) + relu
    x = jnp.einsum('...d,df->...f', x, W) + b
    mean = jnp.mean(x, axis=(0, 1, 2), keepdims=True)
    var = jnp.var(x, axis=(0, 1, 2), keepdims=True)
    x = gamma * (x - mean) * jax.lax.rsqrt(var + BN_EPS) + beta
    return jax.nn.relu(x)


def setup_inputs(seed: int = 0) -> dict:
    key = jax.random.key(seed)
    ks = jax.random.split(key, 4)
    B, N, D = 8, 4096, 3
    inputs = jax.random.uniform(ks[0], (B, N, D), dtype=jnp.float32)
    dims = [D] + MLPS
    out = {"inputs": inputs}
    for i in range(3):
        fan_in, fan_out = dims[i], dims[i + 1]
        wk = jax.random.fold_in(ks[1], i)
        out[f"W{i}"] = jax.random.normal(wk, (fan_in, fan_out), dtype=jnp.float32) * (1.0 / np.sqrt(fan_in))
        out[f"b{i}"] = jnp.zeros((fan_out,), dtype=jnp.float32)
        out[f"gamma{i}"] = jnp.ones((fan_out,), dtype=jnp.float32)
        out[f"beta{i}"] = jnp.zeros((fan_out,), dtype=jnp.float32)
    return out


def reference(inputs, W0, b0, gamma0, beta0, W1, b1, gamma1, beta1, W2, b2, gamma2, beta2):
    key = jax.random.key(42)
    cent_idx = fps(inputs, N_POINTS, key)                                  # [B, n]
    cent_xyz = jnp.take_along_axis(inputs, cent_idx[..., None], axis=1)    # [B, n, 3]
    group_idx = query_ball_point(RADIUS, N_SAMPLES, inputs, cent_xyz)      # [B, n, s]
    group_xyz = jnp.take_along_axis(inputs[:, None, :, :], group_idx[..., None], axis=2)  # [B, n, s, 3]
    x = group_xyz
    for (W, b, g, bt) in ((W0, b0, gamma0, beta0), (W1, b1, gamma1, beta1), (W2, b2, gamma2, beta2)):
        x = mlp_bn_relu(x, W, b, g, bt)
    return jnp.max(x, axis=2)  # [B, n_points, 256]

if __name__ == "__main__":
    import jax
    _d = setup_inputs()
    print(jax.jit(kernel)(*tuple(_d.values())))

</pallas_src>

<mosaic_0001>
#map = affine_map<(d0, d1) -> (0, 0)>
module attributes {stable_mosaic.version = 14 : i64} {
  func.func @_sc_select_body(%arg0: i32, %arg1: i32, %arg2: memref<8192x4096xf32, #tpu.memory_space<hbm>>, %arg3: memref<8x4096xf32, #tpu.memory_space<hbm>>, %arg4: memref<8x4096xf32, #tpu.memory_space<hbm>>, %arg5: memref<8x4096xf32, #tpu.memory_space<hbm>>, %arg6: memref<8192x32xf32, #tpu.memory_space<hbm>>, %arg7: memref<8192x32xf32, #tpu.memory_space<hbm>>, %arg8: memref<8192x32xf32, #tpu.memory_space<hbm>>, %arg9: memref<2x4096xf32, #tpu.memory_space<vmem>>, %arg10: memref<4096xf32, #tpu.memory_space<vmem>>, %arg11: memref<4096xf32, #tpu.memory_space<vmem>>, %arg12: memref<4096xf32, #tpu.memory_space<vmem>>, %arg13: memref<32xi32, #tpu.memory_space<vmem>>, %arg14: memref<4128xi32, #tpu.memory_space<vmem>>, %arg15: memref<4128xf32, #tpu.memory_space<vmem>>, %arg16: memref<256x32xf32, #tpu.memory_space<vmem>>, %arg17: memref<256x32xf32, #tpu.memory_space<vmem>>, %arg18: memref<256x32xf32, #tpu.memory_space<vmem>>, %arg19: memref<!tpu.dma_semaphore, #tpu.memory_space<semaphore_mem>>) attributes {dimension_semantics = [#tpu.dimension_semantics<core_parallel>, #tpu.dimension_semantics<subcore_parallel>], iteration_bounds = array<i64: 2, 16>, scalar_prefetch = 0 : i64, scratch_operands = 11 : i64, tpu.core_type = #tpu.core_type<sc_vector_subcore>, window_params = [{transform_indices = #map}, {transform_indices = #map}, {transform_indices = #map}, {transform_indices = #map}, {transform_indices = #map}, {transform_indices = #map}, {transform_indices = #map}]} {
    %mul3A = arith.constant 2 : i32
    %mul3A_0 = arith.muli %arg1, %mul3A : i32
    %add3A = arith.addi %mul3A_0, %arg0 : i32
    %mul3A_1 = arith.constant 256 : i32
    %mul3A_2 = arith.muli %add3A, %mul3A_1 : i32
    %jit3A = arith.constant 1024 : i32
    %div3A = arith.divsi %mul3A_2, %jit3A : i32
    %sign3A = arith.constant 0 : i32
    %sign3A_3 = arith.cmpi sgt, %mul3A_2, %sign3A : i32
    %sign3A_4 = arith.extui %sign3A_3 : i1 to i32
    %sign3A_5 = arith.constant 0 : i32
    %sign3A_6 = arith.cmpi slt, %mul3A_2, %sign3A_5 : i32
    %sign3A_7 = arith.extui %sign3A_6 : i1 to i32
    %sign3A_8 = arith.subi %sign3A_4, %sign3A_7 : i32
    %sign3A_9 = arith.constant 0 : i32
    %sign3A_10 = arith.cmpi sgt, %jit3A, %sign3A_9 : i32
    %sign3A_11 = arith.extui %sign3A_10 : i1 to i32
    %sign3A_12 = arith.constant 0 : i32
    %sign3A_13 = arith.cmpi slt, %jit3A, %sign3A_12 : i32
    %sign3A_14 = arith.extui %sign3A_13 : i1 to i32
    %sign3A_15 = arith.subi %sign3A_11, %sign3A_14 : i32
    %ne3A = arith.cmpi ne, %sign3A_8, %sign3A_15 : i32
    %rem3A = arith.remsi %mul3A_2, %jit3A : i32
    %ne3A_16 = arith.constant 0 : i32
    %ne3A_17 = arith.cmpi ne, %rem3A, %ne3A_16 : i32
    %and3A = arith.andi %ne3A, %ne3A_17 : i1
    %sub3A = arith.constant 1 : i32
    %sub3A_18 = arith.subi %div3A, %sub3A : i32
    %select_n3A = arith.select %and3A, %sub3A_18, %div3A : i32
    %iota3A = tpu.iota {dimensions = array<i32: 0>} : vector<16xi32>
    "tpu.region"() ({
      %run_scoped3A = tpu.sem_alloc : memref<!tpu.dma_semaphore, #tpu.memory_space<semaphore_mem>>
      %dma_start3A_36 = arith.constant 0 : i32
      %dma_start3A_37 = tpu.memref_slice %arg3[%select_n3A, %dma_start3A_36] : memref<8x4096xf32, #tpu.memory_space<hbm>> -> memref<1x4096xf32, #tpu.memory_space<hbm>>
      %dma_start3A_38 = tpu.memref_squeeze %dma_start3A_37 : memref<1x4096xf32, #tpu.memory_space<hbm>> -> memref<4096xf32, #tpu.memory_space<hbm>>
      %dma_start3A_39 = arith.constant 0 : i32
      %dma_start3A_40 = tpu.memref_slice %arg3[%select_n3A, %dma_start3A_39] : memref<8x4096xf32, #tpu.memory_space<hbm>> -> memref<1x4096xf32, #tpu.memory_space<hbm>>
      %dma_start3A_41 = tpu.memref_squeeze %dma_start3A_40 : memref<1x4096xf32, #tpu.memory_space<hbm>> -> memref<4096xf32, #tpu.memory_space<hbm>>
      tpu.enqueue_dma source(%dma_start3A_41 : memref<4096xf32, #tpu.memory_space<hbm>>) target(%arg10 : memref<4096xf32, #tpu.memory_space<vmem>>) target_semaphore(%run_scoped3A : memref<!tpu.dma_semaphore, #tpu.memory_space<semaphore_mem>>)
      %dma_wait3A = arith.constant 0 : i32
      %dma_wait3A_42 = tpu.memref_slice %arg3[%select_n3A, %dma_wait3A] : memref<8x4096xf32, #tpu.memory_space<hbm>> -> memref<1x4096xf32, #tpu.memory_space<hbm>>
      %dma_wait3A_43 = tpu.memref_squeeze %dma_wait3A_42 : memref<1x4096xf32, #tpu.memory_space<hbm>> -> memref<4096xf32, #tpu.memory_space<hbm>>
      %dma_wait3A_44 = arith.constant 0 : i32
      %dma_wait3A_45 = tpu.memref_slice %arg3[%select_n3A, %dma_wait3A_44] : memref<8x4096xf32, #tpu.memory_space<hbm>> -> memref<1x4096xf32, #tpu.memory_space<hbm>>
      %dma_wait3A_46 = tpu.memref_squeeze %dma_wait3A_45 : memref<1x4096xf32, #tpu.memory_space<hbm>> -> memref<4096xf32, #tpu.memory_space<hbm>>
      tpu.wait_dma2 semaphore(%run_scoped3A : memref<!tpu.dma_semaphore, #tpu.memory_space<semaphore_mem>>) src(%dma_wait3A_46 : memref<4096xf32, #tpu.memory_space<hbm>>) dst(%arg10 : memref<4096xf32, #tpu.memory_space<vmem>>)
      tpu.yield
    }) : () -> ()
    "tpu.region"() ({
      %run_scoped3A = tpu.sem_alloc : memref<!tpu.dma_semaphore, #tpu.memory_space<semaphore_mem>>
      %dma_start3A_36 = arith.constant 0 : i32
      %dma_start3A_37 = tpu.memref_slice %arg4[%select_n3A, %dma_start3A_36] : memref<8x4096xf32, #tpu.memory_space<hbm>> -> memref<1x4096xf32, #tpu.memory_space<hbm>>
      %dma_start3A_38 = tpu.memref_squeeze %dma_start3A_37 : memref<1x4096xf32, #tpu.memory_space<hbm>> -> memref<4096xf32, #tpu.memory_space<hbm>>
      %dma_start3A_39 = arith.constant 0 : i32
      %dma_start3A_40 = tpu.memref_slice %arg4[%select_n3A, %dma_start3A_39] : memref<8x4096xf32, #tpu.memory_space<hbm>> -> memref<1x4096xf32, #tpu.memory_space<hbm>>
      %dma_start3A_41 = tpu.memref_squeeze %dma_start3A_40 : memref<1x4096xf32, #tpu.memory_space<hbm>> -> memref<4096xf32, #tpu.memory_space<hbm>>
      tpu.enqueue_dma source(%dma_start3A_41 : memref<4096xf32, #tpu.memory_space<hbm>>) target(%arg11 : memref<4096xf32, #tpu.memory_space<vmem>>) target_semaphore(%run_scoped3A : memref<!tpu.dma_semaphore, #tpu.memory_space<semaphore_mem>>)
      %dma_wait3A = arith.constant 0 : i32
      %dma_wait3A_42 = tpu.memref_slice %arg4[%select_n3A, %dma_wait3A] : memref<8x4096xf32, #tpu.memory_space<hbm>> -> memref<1x4096xf32, #tpu.memory_space<hbm>>
      %dma_wait3A_43 = tpu.memref_squeeze %dma_wait3A_42 : memref<1x4096xf32, #tpu.memory_space<hbm>> -> memref<4096xf32, #tpu.memory_space<hbm>>
      %dma_wait3A_44 = arith.constant 0 : i32
      %dma_wait3A_45 = tpu.memref_slice %arg4[%select_n3A, %dma_wait3A_44] : memref<8x4096xf32, #tpu.memory_space<hbm>> -> memref<1x4096xf32, #tpu.memory_space<hbm>>
      %dma_wait3A_46 = tpu.memref_squeeze %dma_wait3A_45 : memref<1x4096xf32, #tpu.memory_space<hbm>> -> memref<4096xf32, #tpu.memory_space<hbm>>
      tpu.wait_dma2 semaphore(%run_scoped3A : memref<!tpu.dma_semaphore, #tpu.memory_space<semaphore_mem>>) src(%dma_wait3A_46 : memref<4096xf32, #tpu.memory_space<hbm>>) dst(%arg11 : memref<4096xf32, #tpu.memory_space<vmem>>)
      tpu.yield
    }) : () -> ()
    "tpu.region"() ({
      %run_scoped3A = tpu.sem_alloc : memref<!tpu.dma_semaphore, #tpu.memory_space<semaphore_mem>>
      %dma_start3A_36 = arith.constant 0 : i32
      %dma_start3A_37 = tpu.memref_slice %arg5[%select_n3A, %dma_start3A_36] : memref<8x4096xf32, #tpu.memory_space<hbm>> -> memref<1x4096xf32, #tpu.memory_space<hbm>>
      %dma_start3A_38 = tpu.memref_squeeze %dma_start3A_37 : memref<1x4096xf32, #tpu.memory_space<hbm>> -> memref<4096xf32, #tpu.memory_space<hbm>>
      %dma_start3A_39 = arith.constant 0 : i32
      %dma_start3A_40 = tpu.memref_slice %arg5[%select_n3A, %dma_start3A_39] : memref<8x4096xf32, #tpu.memory_space<hbm>> -> memref<1x4096xf32, #tpu.memory_space<hbm>>
      %dma_start3A_41 = tpu.memref_squeeze %dma_start3A_40 : memref<1x4096xf32, #tpu.memory_space<hbm>> -> memref<4096xf32, #tpu.memory_space<hbm>>
      tpu.enqueue_dma source(%dma_start3A_41 : memref<4096xf32, #tpu.memory_space<hbm>>) target(%arg12 : memref<4096xf32, #tpu.memory_space<vmem>>) target_semaphore(%run_scoped3A : memref<!tpu.dma_semaphore, #tpu.memory_space<semaphore_mem>>)
      %dma_wait3A = arith.constant 0 : i32
      %dma_wait3A_42 = tpu.memref_slice %arg5[%select_n3A, %dma_wait3A] : memref<8x4096xf32, #tpu.memory_space<hbm>> -> memref<1x4096xf32, #tpu.memory_space<hbm>>
      %dma_wait3A_43 = tpu.memref_squeeze %dma_wait3A_42 : memref<1x4096xf32, #tpu.memory_space<hbm>> -> memref<4096xf32, #tpu.memory_space<hbm>>
      %dma_wait3A_44 = arith.constant 0 : i32
      %dma_wait3A_45 = tpu.memref_slice %arg5[%select_n3A, %dma_wait3A_44] : memref<8x4096xf32, #tpu.memory_space<hbm>> -> memref<1x4096xf32, #tpu.memory_space<hbm>>
      %dma_wait3A_46 = tpu.memref_squeeze %dma_wait3A_45 : memref<1x4096xf32, #tpu.memory_space<hbm>> -> memref<4096xf32, #tpu.memory_space<hbm>>
      tpu.wait_dma2 semaphore(%run_scoped3A : memref<!tpu.dma_semaphore, #tpu.memory_space<semaphore_mem>>) src(%dma_wait3A_46 : memref<4096xf32, #tpu.memory_space<hbm>>) dst(%arg12 : memref<4096xf32, #tpu.memory_space<vmem>>)
      tpu.yield
    }) : () -> ()
    %dma_start3A = arith.constant 0 : i32
    %dma_start3A_19 = arith.constant 0 : i32
    %dma_start3A_20 = tpu.memref_slice %arg9[%dma_start3A, %dma_start3A_19] : memref<2x4096xf32, #tpu.memory_space<vmem>> -> memref<1x4096xf32, #tpu.memory_space<vmem>>
    %dma_start3A_21 = tpu.memref_squeeze %dma_start3A_20 : memref<1x4096xf32, #tpu.memory_space<vmem>> -> memref<4096xf32, #tpu.memory_space<vmem>>
    %dma_start3A_22 = arith.constant 0 : i32
    %dma_start3A_23 = tpu.memref_slice %arg2[%mul3A_2, %dma_start3A_22] : memref<8192x4096xf32, #tpu.memory_space<hbm>> -> memref<1x4096xf32, #tpu.memory_space<hbm>>
    %dma_start3A_24 = tpu.memref_squeeze %dma_start3A_23 : memref<1x4096xf32, #tpu.memory_space<hbm>> -> memref<4096xf32, #tpu.memory_space<hbm>>
    %dma_start3A_25 = arith.constant 0 : i32
    %dma_start3A_26 = tpu.memref_slice %arg9[%dma_start3A, %dma_start3A_25] : memref<2x4096xf32, #tpu.memory_space<vmem>> -> memref<1x4096xf32, #tpu.memory_space<vmem>>
    %dma_start3A_27 = tpu.memref_squeeze %dma_start3A_26 : memref<1x4096xf32, #tpu.memory_space<vmem>> -> memref<4096xf32, #tpu.memory_space<vmem>>
    %dma_start3A_28 = arith.constant 0 : i32
    %dma_start3A_29 = tpu.memref_slice %arg2[%mul3A_2, %dma_start3A_28] : memref<8192x4096xf32, #tpu.memory_space<hbm>> -> memref<1x4096xf32, #tpu.memory_space<hbm>>
    %dma_start3A_30 = tpu.memref_squeeze %dma_start3A_29 : memref<1x4096xf32, #tpu.memory_space<hbm>> -> memref<4096xf32, #tpu.memory_space<hbm>>
    tpu.enqueue_dma source(%dma_start3A_30 : memref<4096xf32, #tpu.memory_space<hbm>>) target(%dma_start3A_27 : memref<4096xf32, #tpu.memory_space<vmem>>) target_semaphore(%arg19 : memref<!tpu.dma_semaphore, #tpu.memory_space<semaphore_mem>>)
    %scan3A = arith.constant 0 : i32
    %scan3A_31 = arith.constant 0 : i32
    %scan3A_32 = arith.constant 256 : i32
    %scan3A_33 = arith.addi %scan3A_31, %scan3A_32 : i32
    %scan3A_34 = arith.constant 1 : i32
    scf.for %scan3A_36 = %scan3A_31 to %scan3A_33 step %scan3A_34  : i32 {
      %rem3A_37 = arith.constant 2 : i32
      %rem3A_38 = arith.remsi %scan3A_36, %rem3A_37 : i32
      %add3A_39 = arith.addi %mul3A_2, %scan3A_36 : i32
      %dma_wait3A = arith.constant 0 : i32
      %dma_wait3A_40 = tpu.memref_slice %arg9[%rem3A_38, %dma_wait3A] : memref<2x4096xf32, #tpu.memory_space<vmem>> -> memref<1x4096xf32, #tpu.memory_space<vmem>>
      %dma_wait3A_41 = tpu.memref_squeeze %dma_wait3A_40 : memref<1x4096xf32, #tpu.memory_space<vmem>> -> memref<4096xf32, #tpu.memory_space<vmem>>
      %dma_wait3A_42 = arith.constant 0 : i32
      %dma_wait3A_43 = tpu.memref_slice %arg2[%add3A_39, %dma_wait3A_42] : memref<8192x4096xf32, #tpu.memory_space<hbm>> -> memref<1x4096xf32, #tpu.memory_space<hbm>>
      %dma_wait3A_44 = tpu.memref_squeeze %dma_wait3A_43 : memref<1x4096xf32, #tpu.memory_space<hbm>> -> memref<4096xf32, #tpu.memory_space<hbm>>
      %dma_wait3A_45 = arith.constant 0 : i32
      %dma_wait3A_46 = tpu.memref_slice %arg9[%rem3A_38, %dma_wait3A_45] : memref<2x4096xf32, #tpu.memory_space<vmem>> -> memref<1x4096xf32, #tpu.memory_space<vmem>>
      %dma_wait3A_47 = tpu.memref_squeeze %dma_wait3A_46 : memref<1x4096xf32, #tpu.memory_space<vmem>> -> memref<4096xf32, #tpu.memory_space<vmem>>
      %dma_wait3A_48 = arith.constant 0 : i32
      %dma_wait3A_49 = tpu.memref_slice %arg2[%add3A_39, %dma_wait3A_48] : memref<8192x4096xf32, #tpu.memory_space<hbm>> -> memref<1x4096xf32, #tpu.memory_space<hbm>>
      %dma_wait3A_50 = tpu.memref_squeeze %dma_wait3A_49 : memref<1x4096xf32, #tpu.memory_space<hbm>> -> memref<4096xf32, #tpu.memory_space<hbm>>
      tpu.wait_dma2 semaphore(%arg19 : memref<!tpu.dma_semaphore, #tpu.memory_space<semaphore_mem>>) src(%dma_wait3A_50 : memref<4096xf32, #tpu.memory_space<hbm>>) dst(%dma_wait3A_47 : memref<4096xf32, #tpu.memory_space<vmem>>)
      %lt3A = arith.constant 255 : i32
      %lt3A_51 = arith.cmpi slt, %scan3A_36, %lt3A : i32
      %convert_element_type3A = arith.extui %lt3A_51 : i1 to i32
      %cond3A = arith.constant 0 : i32
      %cond3A_52 = arith.cmpi ne, %convert_element_type3A, %cond3A : i32
      scf.if %cond3A_52 {
        %add3A_92 = arith.addi %mul3A_2, %scan3A_36 : i32
        %add3A_93 = arith.constant 1 : i32
        %add3A_94 = arith.addi %add3A_92, %add3A_93 : i32
        %sub3A_95 = arith.constant 1 : i32
        %sub3A_96 = arith.subi %sub3A_95, %rem3A_38 : i32
        %dma_start3A_97 = arith.constant 0 : i32
        %dma_start3A_98 = tpu.memref_slice %arg9[%sub3A_96, %dma_start3A_97] : memref<2x4096xf32, #tpu.memory_space<vmem>> -> memref<1x4096xf32, #tpu.memory_space<vmem>>
        %dma_start3A_99 = tpu.memref_squeeze %dma_start3A_98 : memref<1x4096xf32, #tpu.memory_space<vmem>> -> memref<4096xf32, #tpu.memory_space<vmem>>
        %dma_start3A_100 = arith.constant 0 : i32
        %dma_start3A_101 = tpu.memref_slice %arg2[%add3A_94, %dma_start3A_100] : memref<8192x4096xf32, #tpu.memory_space<hbm>> -> memref<1x4096xf32, #tpu.memory_space<hbm>>
        %dma_start3A_102 = tpu.memref_squeeze %dma_start3A_101 : memref<1x4096xf32, #tpu.memory_space<hbm>> -> memref<4096xf32, #tpu.memory_space<hbm>>
        %dma_start3A_103 = arith.constant 0 : i32
        %dma_start3A_104 = tpu.memref_slice %arg9[%sub3A_96, %dma_start3A_103] : memref<2x4096xf32, #tpu.memory_space<vmem>> -> memref<1x4096xf32, #tpu.memory_space<vmem>>
        %dma_start3A_105 = tpu.memref_squeeze %dma_start3A_104 : memref<1x4096xf32, #tpu.memory_space<vmem>> -> memref<4096xf32, #tpu.memory_space<vmem>>
        %dma_start3A_106 = arith.constant 0 : i32
        %dma_start3A_107 = tpu.memref_slice %arg2[%add3A_94, %dma_start3A_106] : memref<8192x4096xf32, #tpu.memory_space<hbm>> -> memref<1x4096xf32, #tpu.memory_space<hbm>>
        %dma_start3A_108 = tpu.memref_squeeze %dma_start3A_107 : memref<1x4096xf32, #tpu.memory_space<hbm>> -> memref<4096xf32, #tpu.memory_space<hbm>>
        tpu.enqueue_dma source(%dma_start3A_108 : memref<4096xf32, #tpu.memory_space<hbm>>) target(%dma_start3A_105 : memref<4096xf32, #tpu.memory_space<vmem>>) target_semaphore(%arg19 : memref<!tpu.dma_semaphore, #tpu.memory_space<semaphore_mem>>)
      } else {
      }
      %scan3A_53 = arith.constant 0 : i32
      %scan3A_54 = arith.constant 0 : i32
      %scan3A_55 = arith.constant 256 : i32
      %scan3A_56 = arith.addi %scan3A_54, %scan3A_55 : i32
      %scan3A_57 = arith.constant 1 : i32
      %scan3A_58 = scf.for %scan3A_92 = %scan3A_54 to %scan3A_56 step %scan3A_57 iter_args(%scan3A_93 = %scan3A_53) -> (i32)  : i32 {
        %mul3A_94 = arith.constant 16 : i32
        %mul3A_95 = arith.muli %scan3A_92, %mul3A_94 : i32
        %get3A_96 = arith.index_cast %rem3A_38 : i32 to index
        %get3A_97 = arith.index_cast %mul3A_95 : i32 to index
        %get3A_98 = tpu.vector_load %arg9[%get3A_96, %get3A_97] {strides = array<i32>} : memref<2x4096xf32, #tpu.memory_space<vmem>>, vector<16xf32>,
        %lt3A_99 = arith.constant 4.000000e-02 : f32
        %lt3A_100 = vector.broadcast %lt3A_99 : f32 to vector<16xf32>
        %lt3A_101 = arith.cmpf olt, %get3A_98, %lt3A_100 : vector<16xf32>
        %mul3A_102 = arith.constant 16 : i32
        %mul3A_103 = arith.muli %scan3A_92, %mul3A_102 : i32
        %add3A_104 = vector.broadcast %mul3A_103 : i32 to vector<16xi32>
        %add3A_105 = arith.addi %add3A_104, %iota3A : vector<16xi32>
        %swap3A_106 = arith.index_cast %scan3A_93 : i32 to index
        %swap3A_107 = tpu.vector_load %arg14[%swap3A_106] masked %lt3A_101 {strides = array<i32>} : memref<4128xi32, #tpu.memory_space<vmem>>, vector<16xi32>, vector<16xi1>
        tpu.vector_store %arg14[%swap3A_106], %add3A_105 masked %lt3A_101 {strides = array<i32>} : memref<4128xi32, #tpu.memory_space<vmem>>, vector<16xi32>, vector<16xi1>
        %swap3A_108 = arith.index_cast %scan3A_93 : i32 to index
        %swap3A_109 = tpu.vector_load %arg15[%swap3A_108] masked %lt3A_101 {strides = array<i32>} : memref<4128xf32, #tpu.memory_space<vmem>>, vector<16xf32>, vector<16xi1>
        tpu.vector_store %arg15[%swap3A_108], %get3A_98 masked %lt3A_101 {strides = array<i32>} : memref<4128xf32, #tpu.memory_space<vmem>>, vector<16xf32>, vector<16xi1>
        %jit3A_110 = arith.constant 1 : i32
        %jit3A_111 = arith.constant 0 : i32
        %broadcast_in_dim3A = vector.broadcast %jit3A_110 : i32 to vector<16xi32>
        %broadcast_in_dim3A_112 = vector.broadcast %jit3A_111 : i32 to vector<16xi32>
        %select_n3A_113 = arith.select %lt3A_101, %broadcast_in_dim3A, %broadcast_in_dim3A_112 : vector<16xi1>, vector<16xi32>
        %reduce_sum3A = arith.constant true
        %reduce_sum3A_114 = vector.broadcast %reduce_sum3A : i1 to vector<16xi1>
        %reduce_sum3A_115 = tpu.scan <sum>, %select_n3A_113 masked %reduce_sum3A_114 : vector<16xi32>, vector<16xi1> -> vector<16xi32>
        %reduce_sum3A_116 = vector.extract %reduce_sum3A_115[15] : i32 from vector<16xi32>
        %add3A_117 = arith.addi %scan3A_93, %reduce_sum3A_116 : i32
        scf.yield %add3A_117 : i32
      }
      %scan3A_59 = arith.constant 256 : i32
      %lt3A_60 = arith.constant 32 : i32
      %lt3A_61 = arith.cmpi slt, %scan3A_58, %lt3A_60 : i32
      %convert_element_type3A_62 = arith.extui %lt3A_61 : i1 to i32
      %cond3A_63 = arith.constant 0 : i32
      %cond3A_64 = arith.constant 0 : i32
      %cond3A_65 = arith.cmpi ne, %convert_element_type3A_62, %cond3A_64 : i32
      %cond3A_66 = scf.if %cond3A_65 -> (i32) {
        %get3A_92 = arith.index_cast %rem3A_38 : i32 to index
        %get3A_93 = arith.constant 0 : index
        %get3A_94 = tpu.vector_load %arg9[%get3A_92, %get3A_93] {strides = array<i32>} : memref<2x4096xf32, #tpu.memory_space<vmem>>, vector<16xf32>,
        %ge3A = arith.constant 4.000000e-02 : f32
        %ge3A_95 = vector.broadcast %ge3A : f32 to vector<16xf32>
        %ge3A_96 = arith.cmpf oge, %get3A_94, %ge3A_95 : vector<16xf32>
        %jit3A_97 = arith.constant 1 : i32
        %jit3A_98 = arith.constant 0 : i32
        %broadcast_in_dim3A = vector.broadcast %jit3A_97 : i32 to vector<16xi32>
        %broadcast_in_dim3A_99 = vector.broadcast %jit3A_98 : i32 to vector<16xi32>
        %select_n3A_100 = arith.select %ge3A_96, %broadcast_in_dim3A, %broadcast_in_dim3A_99 : vector<16xi1>, vector<16xi32>
        %broadcast_in_dim3A_101 = arith.constant true
        %broadcast_in_dim3A_102 = vector.broadcast %broadcast_in_dim3A_101 : i1 to vector<16xi1>
        %masked_cumsum3A = tpu.scan <sum>, %select_n3A_100 masked %broadcast_in_dim3A_102 : vector<16xi32>, vector<16xi1> -> vector<16xi32>
        %sub3A_103 = arith.subi %masked_cumsum3A, %select_n3A_100 : vector<16xi32>
        %add3A_104 = arith.constant 0 : i32
        %add3A_105 = vector.broadcast %add3A_104 : i32 to vector<16xi32>
        %add3A_106 = arith.addi %add3A_105, %sub3A_103 : vector<16xi32>
        %sub3A_107 = arith.constant 32 : i32
        %sub3A_108 = arith.subi %sub3A_107, %scan3A_58 : i32
        %lt3A_109 = vector.broadcast %sub3A_108 : i32 to vector<16xi32>
        %lt3A_110 = arith.cmpi slt, %add3A_106, %lt3A_109 : vector<16xi32>
        %and3A_111 = arith.andi %ge3A_96, %lt3A_110 : vector<16xi1>
        %add3A_112 = arith.constant 0 : i32
        %add3A_113 = vector.broadcast %add3A_112 : i32 to vector<16xi32>
        %add3A_114 = arith.addi %add3A_113, %iota3A : vector<16xi32>
        %swap3A_115 = arith.index_cast %scan3A_58 : i32 to index
        %swap3A_116 = tpu.vector_load %arg14[%swap3A_115] masked %and3A_111 {strides = array<i32>} : memref<4128xi32, #tpu.memory_space<vmem>>, vector<16xi32>, vector<16xi1>
        tpu.vector_store %arg14[%swap3A_115], %add3A_114 masked %and3A_111 {strides = array<i32>} : memref<4128xi32, #tpu.memory_space<vmem>>, vector<16xi32>, vector<16xi1>
        %jit3A_117 = arith.constant 1 : i32
        %jit3A_118 = arith.constant 0 : i32
        %broadcast_in_dim3A_119 = vector.broadcast %jit3A_117 : i32 to vector<16xi32>
        %broadcast_in_dim3A_120 = vector.broadcast %jit3A_118 : i32 to vector<16xi32>
        %select_n3A_121 = arith.select %and3A_111, %broadcast_in_dim3A_119, %broadcast_in_dim3A_120 : vector<16xi1>, vector<16xi32>
        %reduce_sum3A = arith.constant true
        %reduce_sum3A_122 = vector.broadcast %reduce_sum3A : i1 to vector<16xi1>
        %reduce_sum3A_123 = tpu.scan <sum>, %select_n3A_121 masked %reduce_sum3A_122 : vector<16xi32>, vector<16xi1> -> vector<16xi32>
        %reduce_sum3A_124 = vector.extract %reduce_sum3A_123[15] : i32 from vector<16xi32>
        %add3A_125 = arith.addi %scan3A_58, %reduce_sum3A_124 : i32
        %reduce_sum3A_126 = arith.constant true
        %reduce_sum3A_127 = vector.broadcast %reduce_sum3A_126 : i1 to vector<16xi1>
        %reduce_sum3A_128 = tpu.scan <sum>, %select_n3A_100 masked %reduce_sum3A_127 : vector<16xi32>, vector<16xi1> -> vector<16xi32>
        %reduce_sum3A_129 = vector.extract %reduce_sum3A_128[15] : i32 from vector<16xi32>
        %add3A_130 = arith.constant 0 : i32
        %add3A_131 = arith.addi %add3A_130, %reduce_sum3A_129 : i32
        %get3A_132 = arith.index_cast %rem3A_38 : i32 to index
        %get3A_133 = arith.constant 16 : index
        %get3A_134 = tpu.vector_load %arg9[%get3A_132, %get3A_133] {strides = array<i32>} : memref<2x4096xf32, #tpu.memory_space<vmem>>, vector<16xf32>,
        %ge3A_135 = arith.constant 4.000000e-02 : f32
        %ge3A_136 = vector.broadcast %ge3A_135 : f32 to vector<16xf32>
        %ge3A_137 = arith.cmpf oge, %get3A_134, %ge3A_136 : vector<16xf32>
        %jit3A_138 = arith.constant 1 : i32
        %jit3A_139 = arith.constant 0 : i32
        %broadcast_in_dim3A_140 = vector.broadcast %jit3A_138 : i32 to vector<16xi32>
        %broadcast_in_dim3A_141 = vector.broadcast %jit3A_139 : i32 to vector<16xi32>
        %select_n3A_142 = arith.select %ge3A_137, %broadcast_in_dim3A_140, %broadcast_in_dim3A_141 : vector<16xi1>, vector<16xi32>
        %broadcast_in_dim3A_143 = arith.constant true
        %broadcast_in_dim3A_144 = vector.broadcast %broadcast_in_dim3A_143 : i1 to vector<16xi1>
        %masked_cumsum3A_145 = tpu.scan <sum>, %select_n3A_142 masked %broadcast_in_dim3A_144 : vector<16xi32>, vector<16xi1> -> vector<16xi32>
        %sub3A_146 = arith.subi %masked_cumsum3A_145, %select_n3A_142 : vector<16xi32>
        %add3A_147 = vector.broadcast %add3A_131 : i32 to vector<16xi32>
        %add3A_148 = arith.addi %add3A_147, %sub3A_146 : vector<16xi32>
        %sub3A_149 = arith.constant 32 : i32
        %sub3A_150 = arith.subi %sub3A_149, %scan3A_58 : i32
        %lt3A_151 = vector.broadcast %sub3A_150 : i32 to vector<16xi32>
        %lt3A_152 = arith.cmpi slt, %add3A_148, %lt3A_151 : vector<16xi32>
        %and3A_153 = arith.andi %ge3A_137, %lt3A_152 : vector<16xi1>
        %add3A_154 = arith.constant 16 : i32
        %add3A_155 = vector.broadcast %add3A_154 : i32 to vector<16xi32>
        %add3A_156 = arith.addi %add3A_155, %iota3A : vector<16xi32>
        %swap3A_157 = arith.index_cast %add3A_125 : i32 to index
        %swap3A_158 = tpu.vector_load %arg14[%swap3A_157] masked %and3A_153 {strides = array<i32>} : memref<4128xi32, #tpu.memory_space<vmem>>, vector<16xi32>, vector<16xi1>
        tpu.vector_store %arg14[%swap3A_157], %add3A_156 masked %and3A_153 {strides = array<i32>} : memref<4128xi32, #tpu.memory_space<vmem>>, vector<16xi32>, vector<16xi1>
        %jit3A_159 = arith.constant 1 : i32
        %jit3A_160 = arith.constant 0 : i32
        %broadcast_in_dim3A_161 = vector.broadcast %jit3A_159 : i32 to vector<16xi32>
        %broadcast_in_dim3A_162 = vector.broadcast %jit3A_160 : i32 to vector<16xi32>
        %select_n3A_163 = arith.select %and3A_153, %broadcast_in_dim3A_161, %broadcast_in_dim3A_162 : vector<16xi1>, vector<16xi32>
        %reduce_sum3A_164 = arith.constant true
        %reduce_sum3A_165 = vector.broadcast %reduce_sum3A_164 : i1 to vector<16xi1>
        %reduce_sum3A_166 = tpu.scan <sum>, %select_n3A_163 masked %reduce_sum3A_165 : vector<16xi32>, vector<16xi1> -> vector<16xi32>
        %reduce_sum3A_167 = vector.extract %reduce_sum3A_166[15] : i32 from vector<16xi32>
        %add3A_168 = arith.addi %add3A_125, %reduce_sum3A_167 : i32
        %reduce_sum3A_169 = arith.constant true
        %reduce_sum3A_170 = vector.broadcast %reduce_sum3A_169 : i1 to vector<16xi1>
        %reduce_sum3A_171 = tpu.scan <sum>, %select_n3A_142 masked %reduce_sum3A_170 : vector<16xi32>, vector<16xi1> -> vector<16xi32>
        %reduce_sum3A_172 = vector.extract %reduce_sum3A_171[15] : i32 from vector<16xi32>
        %add3A_173 = arith.addi %add3A_131, %reduce_sum3A_172 : i32
        %get3A_174 = arith.constant 0 : index
        %get3A_175 = tpu.vector_load %arg14[%get3A_174] {strides = array<i32>} : memref<4128xi32, #tpu.memory_space<vmem>>, vector<16xi32>,
        %swap3A_176 = arith.constant 0 : index
        %swap3A_177 = tpu.vector_load %arg13[%swap3A_176] {strides = array<i32>} : memref<32xi32, #tpu.memory_space<vmem>>, vector<16xi32>,
        tpu.vector_store %arg13[%swap3A_176], %get3A_175 {strides = array<i32>} : memref<32xi32, #tpu.memory_space<vmem>>, vector<16xi32>,
        %get3A_178 = arith.constant 16 : index
        %get3A_179 = tpu.vector_load %arg14[%get3A_178] {strides = array<i32>} : memref<4128xi32, #tpu.memory_space<vmem>>, vector<16xi32>,
        %swap3A_180 = arith.constant 16 : index
        %swap3A_181 = tpu.vector_load %arg13[%swap3A_180] {strides = array<i32>} : memref<32xi32, #tpu.memory_space<vmem>>, vector<16xi32>,
        tpu.vector_store %arg13[%swap3A_180], %get3A_179 {strides = array<i32>} : memref<32xi32, #tpu.memory_space<vmem>>, vector<16xi32>,
        %cond3A_182 = arith.constant 0 : i32
        scf.yield %cond3A_182 : i32
      } else {
        %add3A_92 = arith.constant 15 : i32
        %add3A_93 = arith.addi %scan3A_58, %add3A_92 : i32
        %jit3A_94 = arith.constant 16 : i32
        %div3A_95 = arith.divsi %add3A_93, %jit3A_94 : i32
        %sign3A_96 = arith.constant 0 : i32
        %sign3A_97 = arith.cmpi sgt, %add3A_93, %sign3A_96 : i32
        %sign3A_98 = arith.extui %sign3A_97 : i1 to i32
        %sign3A_99 = arith.constant 0 : i32
        %sign3A_100 = arith.cmpi slt, %add3A_93, %sign3A_99 : i32
        %sign3A_101 = arith.extui %sign3A_100 : i1 to i32
        %sign3A_102 = arith.subi %sign3A_98, %sign3A_101 : i32
        %sign3A_103 = arith.constant 0 : i32
        %sign3A_104 = arith.cmpi sgt, %jit3A_94, %sign3A_103 : i32
        %sign3A_105 = arith.extui %sign3A_104 : i1 to i32
        %sign3A_106 = arith.constant 0 : i32
        %sign3A_107 = arith.cmpi slt, %jit3A_94, %sign3A_106 : i32
        %sign3A_108 = arith.extui %sign3A_107 : i1 to i32
        %sign3A_109 = arith.subi %sign3A_105, %sign3A_108 : i32
        %ne3A_110 = arith.cmpi ne, %sign3A_102, %sign3A_109 : i32
        %rem3A_111 = arith.remsi %add3A_93, %jit3A_94 : i32
        %ne3A_112 = arith.constant 0 : i32
        %ne3A_113 = arith.cmpi ne, %rem3A_111, %ne3A_112 : i32
        %and3A_114 = arith.andi %ne3A_110, %ne3A_113 : i1
        %sub3A_115 = arith.constant 1 : i32
        %sub3A_116 = arith.subi %div3A_95, %sub3A_115 : i32
        %select_n3A_117 = arith.select %and3A_114, %sub3A_116, %div3A_95 : i32
        %broadcast_in_dim3A = arith.constant 0 : i32
        %broadcast_in_dim3A_118 = vector.broadcast %broadcast_in_dim3A : i32 to vector<16xi32>
        %broadcast_in_dim3A_119 = arith.constant 0 : i32
        %broadcast_in_dim3A_120 = vector.broadcast %broadcast_in_dim3A_119 : i32 to vector<16xi32>
        %scan3A_121 = arith.constant 3.000000e+38 : f32
        %scan3A_122 = arith.constant 1073741824 : i32
        %scan3A_123 = arith.constant 0 : i32
        %scan3A_124 = arith.constant 32 : i32
        %scan3A_125 = arith.addi %scan3A_123, %scan3A_124 : i32
        %scan3A_126 = arith.constant 1 : i32
        %scan3A_127:2 = scf.for %scan3A_134 = %scan3A_123 to %scan3A_125 step %scan3A_126 iter_args(%scan3A_135 = %broadcast_in_dim3A_118, %scan3A_136 = %broadcast_in_dim3A_120) -> (vector<16xi32>, vector<16xi32>)  : i32 {
          %broadcast_in_dim3A_137 = vector.broadcast %scan3A_121 : f32 to vector<16xf32>
          %broadcast_in_dim3A_138 = vector.broadcast %scan3A_122 : i32 to vector<16xi32>
          %broadcast_in_dim3A_139 = vector.broadcast %scan3A_122 : i32 to vector<16xi32>
          %while3A = arith.constant 0 : i32
          %while3A_140 = arith.subi %select_n3A_117, %while3A : i32
          %while3A_141 = arith.addi %while3A, %while3A_140 : i32
          %while3A_142 = arith.constant 1 : i32
          %while3A_143 = arith.divsi %while3A_140, %while3A_142 : i32
          %while3A_144 = arith.muli %while3A_143, %while3A_142 : i32
          %while3A_145 = arith.addi %while3A, %while3A_144 : i32
          %while3A_146 = arith.constant 1 : i32
          %while3A_147:3 = scf.for %while3A_222 = %while3A to %while3A_145 step %while3A_146 iter_args(%while3A_223 = %broadcast_in_dim3A_137, %while3A_224 = %broadcast_in_dim3A_138, %while3A_225 = %broadcast_in_dim3A_139) -> (vector<16xf32>, vector<16xi32>, vector<16xi32>)  : i32 {
            %mul3A_226 = arith.constant 16 : i32
            %mul3A_227 = arith.muli %while3A_222, %mul3A_226 : i32
            %add3A_228 = vector.broadcast %mul3A_227 : i32 to vector<16xi32>
            %add3A_229 = arith.addi %add3A_228, %iota3A : vector<16xi32>
            %lt3A_230 = vector.broadcast %scan3A_58 : i32 to vector<16xi32>
            %lt3A_231 = arith.cmpi slt, %add3A_229, %lt3A_230 : vector<16xi32>
            %mul3A_232 = arith.constant 16 : i32
            %mul3A_233 = arith.muli %while3A_222, %mul3A_232 : i32
            %get3A_234 = arith.index_cast %mul3A_233 : i32 to index
            %get3A_235 = tpu.vector_load %arg15[%get3A_234] {strides = array<i32>} : memref<4128xf32, #tpu.memory_space<vmem>>, vector<16xf32>,
            %broadcast_in_dim3A_236 = vector.broadcast %scan3A_121 : f32 to vector<16xf32>
            %select_n3A_237 = arith.select %lt3A_231, %get3A_235, %broadcast_in_dim3A_236 : vector<16xi1>, vector<16xf32>
            %mul3A_238 = arith.constant 16 : i32
            %mul3A_239 = arith.muli %while3A_222, %mul3A_238 : i32
            %get3A_240 = arith.index_cast %mul3A_239 : i32 to index
            %get3A_241 = tpu.vector_load %arg14[%get3A_240] {strides = array<i32>} : memref<4128xi32, #tpu.memory_space<vmem>>, vector<16xi32>,
            %broadcast_in_dim3A_242 = vector.broadcast %scan3A_122 : i32 to vector<16xi32>
            %select_n3A_243 = arith.select %lt3A_231, %get3A_241, %broadcast_in_dim3A_242 : vector<16xi1>, vector<16xi32>
            %lt3A_244 = arith.cmpf olt, %select_n3A_237, %while3A_223 : vector<16xf32>
            %eq3A_245 = arith.cmpf oeq, %select_n3A_237, %while3A_223 : vector<16xf32>
            %lt3A_246 = arith.cmpi slt, %select_n3A_243, %while3A_224 : vector<16xi32>
            %and3A_247 = arith.andi %eq3A_245, %lt3A_246 : vector<16xi1>
            %or3A = arith.ori %lt3A_244, %and3A_247 : vector<16xi1>
            %select_n3A_248 = arith.select %or3A, %select_n3A_237, %while3A_223 : vector<16xi1>, vector<16xf32>
            %select_n3A_249 = arith.select %or3A, %select_n3A_243, %while3A_224 : vector<16xi1>, vector<16xi32>
            %select_n3A_250 = arith.select %or3A, %add3A_229, %while3A_225 : vector<16xi1>, vector<16xi32>
            scf.yield %select_n3A_248, %select_n3A_249, %select_n3A_250 : vector<16xf32>, vector<16xi32>, vector<16xi32>
          }
          %while3A_148 = arith.constant 1 : i32
          %while3A_149:3 = scf.for %while3A_222 = %while3A_145 to %while3A_141 step %while3A_148 iter_args(%while3A_223 = %while3A_147#0, %while3A_224 = %while3A_147#1, %while3A_225 = %while3A_147#2) -> (vector<16xf32>, vector<16xi32>, vector<16xi32>)  : i32 {
            %mul3A_226 = arith.constant 16 : i32
            %mul3A_227 = arith.muli %while3A_222, %mul3A_226 : i32
            %add3A_228 = vector.broadcast %mul3A_227 : i32 to vector<16xi32>
            %add3A_229 = arith.addi %add3A_228, %iota3A : vector<16xi32>
            %lt3A_230 = vector.broadcast %scan3A_58 : i32 to vector<16xi32>
            %lt3A_231 = arith.cmpi slt, %add3A_229, %lt3A_230 : vector<16xi32>
            %mul3A_232 = arith.constant 16 : i32
            %mul3A_233 = arith.muli %while3A_222, %mul3A_232 : i32
            %get3A_234 = arith.index_cast %mul3A_233 : i32 to index
            %get3A_235 = tpu.vector_load %arg15[%get3A_234] {strides = array<i32>} : memref<4128xf32, #tpu.memory_space<vmem>>, vector<16xf32>,
            %broadcast_in_dim3A_236 = vector.broadcast %scan3A_121 : f32 to vector<16xf32>
            %select_n3A_237 = arith.select %lt3A_231, %get3A_235, %broadcast_in_dim3A_236 : vector<16xi1>, vector<16xf32>
            %mul3A_238 = arith.constant 16 : i32
            %mul3A_239 = arith.muli %while3A_222, %mul3A_238 : i32
            %get3A_240 = arith.index_cast %mul3A_239 : i32 to index
            %get3A_241 = tpu.vector_load %arg14[%get3A_240] {strides = array<i32>} : memref<4128xi32, #tpu.memory_space<vmem>>, vector<16xi32>,
            %broadcast_in_dim3A_242 = vector.broadcast %scan3A_122 : i32 to vector<16xi32>
            %select_n3A_243 = arith.select %lt3A_231, %get3A_241, %broadcast_in_dim3A_242 : vector<16xi1>, vector<16xi32>
            %lt3A_244 = arith.cmpf olt, %select_n3A_237, %while3A_223 : vector<16xf32>
            %eq3A_245 = arith.cmpf oeq, %select_n3A_237, %while3A_223 : vector<16xf32>
            %lt3A_246 = arith.cmpi slt, %select_n3A_243, %while3A_224 : vector<16xi32>
            %and3A_247 = arith.andi %eq3A_245, %lt3A_246 : vector<16xi1>
            %or3A = arith.ori %lt3A_244, %and3A_247 : vector<16xi1>
            %select_n3A_248 = arith.select %or3A, %select_n3A_237, %while3A_223 : vector<16xi1>, vector<16xf32>
            %select_n3A_249 = arith.select %or3A, %select_n3A_243, %while3A_224 : vector<16xi1>, vector<16xi32>
            %select_n3A_250 = arith.select %or3A, %add3A_229, %while3A_225 : vector<16xi1>, vector<16xi32>
            scf.yield %select_n3A_248, %select_n3A_249, %select_n3A_250 : vector<16xf32>, vector<16xi32>, vector<16xi32>
          }
          %reduce_min3A = arith.constant true
          %reduce_min3A_150 = vector.broadcast %reduce_min3A : i1 to vector<16xi1>
          %reduce_min3A_151 = tpu.scan <min>, %while3A_149#0 masked %reduce_min3A_150 : vector<16xf32>, vector<16xi1> -> vector<16xf32>
          %reduce_min3A_152 = vector.extract %reduce_min3A_151[15] : f32 from vector<16xf32>
          %eq3A = vector.broadcast %reduce_min3A_152 : f32 to vector<16xf32>
          %eq3A_153 = arith.cmpf oeq, %while3A_149#0, %eq3A : vector<16xf32>
          %broadcast_in_dim3A_154 = vector.broadcast %scan3A_122 : i32 to vector<16xi32>
          %select_n3A_155 = arith.select %eq3A_153, %while3A_149#1, %broadcast_in_dim3A_154 : vector<16xi1>, vector<16xi32>
          %reduce_min3A_156 = arith.constant true
          %reduce_min3A_157 = vector.broadcast %reduce_min3A_156 : i1 to vector<16xi1>
          %reduce_min3A_158 = arith.constant -2147483648 : i32
          %reduce_min3A_159 = vector.broadcast %reduce_min3A_158 : i32 to vector<16xi32>
          %reduce_min3A_160 = arith.xori %select_n3A_155, %reduce_min3A_159 : vector<16xi32>
          %reduce_min3A_161 = tpu.scan <min>, %reduce_min3A_160 masked %reduce_min3A_157 : vector<16xi32>, vector<16xi1> -> vector<16xi32>
          %reduce_min3A_162 = arith.xori %reduce_min3A_161, %reduce_min3A_159 : vector<16xi32>
          %reduce_min3A_163 = vector.extract %reduce_min3A_162[15] : i32 from vector<16xi32>
          %eq3A_164 = vector.broadcast %reduce_min3A_163 : i32 to vector<16xi32>
          %eq3A_165 = arith.cmpi eq, %while3A_149#1, %eq3A_164 : vector<16xi32>
          %and3A_166 = arith.andi %eq3A_153, %eq3A_165 : vector<16xi1>
          %broadcast_in_dim3A_167 = vector.broadcast %scan3A_122 : i32 to vector<16xi32>
          %select_n3A_168 = arith.select %and3A_166, %while3A_149#2, %broadcast_in_dim3A_167 : vector<16xi1>, vector<16xi32>
          %reduce_min3A_169 = arith.constant true
          %reduce_min3A_170 = vector.broadcast %reduce_min3A_169 : i1 to vector<16xi1>
          %reduce_min3A_171 = arith.constant -2147483648 : i32
          %reduce_min3A_172 = vector.broadcast %reduce_min3A_171 : i32 to vector<16xi32>
          %reduce_min3A_173 = arith.xori %select_n3A_168, %reduce_min3A_172 : vector<16xi32>
          %reduce_min3A_174 = tpu.scan <min>, %reduce_min3A_173 masked %reduce_min3A_170 : vector<16xi32>, vector<16xi1> -> vector<16xi32>
          %reduce_min3A_175 = arith.xori %reduce_min3A_174, %reduce_min3A_172 : vector<16xi32>
          %reduce_min3A_176 = vector.extract %reduce_min3A_175[15] : i32 from vector<16xi32>
          %eq3A_177 = vector.broadcast %scan3A_134 : i32 to vector<16xi32>
          %eq3A_178 = arith.cmpi eq, %iota3A, %eq3A_177 : vector<16xi32>
          %broadcast_in_dim3A_179 = vector.broadcast %reduce_min3A_163 : i32 to vector<16xi32>
          %select_n3A_180 = arith.select %eq3A_178, %broadcast_in_dim3A_179, %scan3A_135 : vector<16xi1>, vector<16xi32>
          %sub3A_181 = arith.constant 16 : i32
          %sub3A_182 = arith.subi %scan3A_134, %sub3A_181 : i32
          %eq3A_183 = vector.broadcast %sub3A_182 : i32 to vector<16xi32>
          %eq3A_184 = arith.cmpi eq, %iota3A, %eq3A_183 : vector<16xi32>
          %broadcast_in_dim3A_185 = vector.broadcast %reduce_min3A_163 : i32 to vector<16xi32>
          %select_n3A_186 = arith.select %eq3A_184, %broadcast_in_dim3A_185, %scan3A_136 : vector<16xi1>, vector<16xi32>
          %jit3A_187 = arith.constant 16 : i32
          %div3A_188 = arith.divsi %reduce_min3A_176, %jit3A_187 : i32
          %sign3A_189 = arith.constant 0 : i32
          %sign3A_190 = arith.cmpi sgt, %reduce_min3A_176, %sign3A_189 : i32
          %sign3A_191 = arith.extui %sign3A_190 : i1 to i32
          %sign3A_192 = arith.constant 0 : i32
          %sign3A_193 = arith.cmpi slt, %reduce_min3A_176, %sign3A_192 : i32
          %sign3A_194 = arith.extui %sign3A_193 : i1 to i32
          %sign3A_195 = arith.subi %sign3A_191, %sign3A_194 : i32
          %sign3A_196 = arith.constant 0 : i32
          %sign3A_197 = arith.cmpi sgt, %jit3A_187, %sign3A_196 : i32
          %sign3A_198 = arith.extui %sign3A_197 : i1 to i32
          %sign3A_199 = arith.constant 0 : i32
          %sign3A_200 = arith.cmpi slt, %jit3A_187, %sign3A_199 : i32
          %sign3A_201 = arith.extui %sign3A_200 : i1 to i32
          %sign3A_202 = arith.subi %sign3A_198, %sign3A_201 : i32
          %ne3A_203 = arith.cmpi ne, %sign3A_195, %sign3A_202 : i32
          %rem3A_204 = arith.remsi %reduce_min3A_176, %jit3A_187 : i32
          %ne3A_205 = arith.constant 0 : i32
          %ne3A_206 = arith.cmpi ne, %rem3A_204, %ne3A_205 : i32
          %and3A_207 = arith.andi %ne3A_203, %ne3A_206 : i1
          %sub3A_208 = arith.constant 1 : i32
          %sub3A_209 = arith.subi %div3A_188, %sub3A_208 : i32
          %select_n3A_210 = arith.select %and3A_207, %sub3A_209, %div3A_188 : i32
          %mul3A_211 = arith.constant 16 : i32
          %mul3A_212 = arith.muli %select_n3A_210, %mul3A_211 : i32
          %sub3A_213 = arith.subi %reduce_min3A_176, %mul3A_212 : i32
          %get3A_214 = arith.index_cast %mul3A_212 : i32 to index
          %get3A_215 = tpu.vector_load %arg15[%get3A_214] {strides = array<i32>} : memref<4128xf32, #tpu.memory_space<vmem>>, vector<16xf32>,
          %eq3A_216 = vector.broadcast %sub3A_213 : i32 to vector<16xi32>
          %eq3A_217 = arith.cmpi eq, %iota3A, %eq3A_216 : vector<16xi32>
          %broadcast_in_dim3A_218 = vector.broadcast %scan3A_121 : f32 to vector<16xf32>
          %select_n3A_219 = arith.select %eq3A_217, %broadcast_in_dim3A_218, %get3A_215 : vector<16xi1>, vector<16xf32>
          %swap3A_220 = arith.index_cast %mul3A_212 : i32 to index
          %swap3A_221 = tpu.vector_load %arg15[%swap3A_220] {strides = array<i32>} : memref<4128xf32, #tpu.memory_space<vmem>>, vector<16xf32>,
          tpu.vector_store %arg15[%swap3A_220], %select_n3A_219 {strides = array<i32>} : memref<4128xf32, #tpu.memory_space<vmem>>, vector<16xf32>,
          scf.yield %select_n3A_180, %select_n3A_186 : vector<16xi32>, vector<16xi32>
        }
        %scan3A_128 = arith.constant 32 : i32
        %swap3A_129 = arith.constant 0 : index
        %swap3A_130 = tpu.vector_load %arg13[%swap3A_129] {strides = array<i32>} : memref<32xi32, #tpu.memory_space<vmem>>, vector<16xi32>,
        tpu.vector_store %arg13[%swap3A_129], %scan3A_127#0 {strides = array<i32>} : memref<32xi32, #tpu.memory_space<vmem>>, vector<16xi32>,
        %swap3A_131 = arith.constant 16 : index
        %swap3A_132 = tpu.vector_load %arg13[%swap3A_131] {strides = array<i32>} : memref<32xi32, #tpu.memory_space<vmem>>, vector<16xi32>,
        tpu.vector_store %arg13[%swap3A_131], %scan3A_127#1 {strides = array<i32>} : memref<32xi32, #tpu.memory_space<vmem>>, vector<16xi32>,
        %cond3A_133 = arith.constant 0 : i32
        scf.yield %cond3A_133 : i32
      }
      %get3A = arith.constant 0 : index
      %get3A_67 = tpu.vector_load %arg13[%get3A] {strides = array<i32>} : memref<32xi32, #tpu.memory_space<vmem>>, vector<16xi32>,
      %gather3A = tpu.vector_load_idx %arg10[%get3A_67] : memref<4096xf32, #tpu.memory_space<vmem>>[vector<16xi32>], vector<16xf32>,
      %swap3A = arith.index_cast %scan3A_36 : i32 to index
      %swap3A_68 = arith.constant 0 : index
      %swap3A_69 = tpu.vector_load %arg16[%swap3A, %swap3A_68] {strides = array<i32>} : memref<256x32xf32, #tpu.memory_space<vmem>>, vector<16xf32>,
      tpu.vector_store %arg16[%swap3A, %swap3A_68], %gather3A {strides = array<i32>} : memref<256x32xf32, #tpu.memory_space<vmem>>, vector<16xf32>,
      %gather3A_70 = tpu.vector_load_idx %arg11[%get3A_67] : memref<4096xf32, #tpu.memory_space<vmem>>[vector<16xi32>], vector<16xf32>,
      %swap3A_71 = arith.index_cast %scan3A_36 : i32 to index
      %swap3A_72 = arith.constant 0 : index
      %swap3A_73 = tpu.vector_load %arg17[%swap3A_71, %swap3A_72] {strides = array<i32>} : memref<256x32xf32, #tpu.memory_space<vmem>>, vector<16xf32>,
      tpu.vector_store %arg17[%swap3A_71, %swap3A_72], %gather3A_70 {strides = array<i32>} : memref<256x32xf32, #tpu.memory_space<vmem>>, vector<16xf32>,
      %gather3A_74 = tpu.vector_load_idx %arg12[%get3A_67] : memref<4096xf32, #tpu.memory_space<vmem>>[vector<16xi32>], vector<16xf32>,
      %swap3A_75 = arith.index_cast %scan3A_36 : i32 to index
      %swap3A_76 = arith.constant 0 : index
      %swap3A_77 = tpu.vector_load %arg18[%swap3A_75, %swap3A_76] {strides = array<i32>} : memref<256x32xf32, #tpu.memory_space<vmem>>, vector<16xf32>,
      tpu.vector_store %arg18[%swap3A_75, %swap3A_76], %gather3A_74 {strides = array<i32>} : memref<256x32xf32, #tpu.memory_space<vmem>>, vector<16xf32>,
      %get3A_78 = arith.constant 16 : index
      %get3A_79 = tpu.vector_load %arg13[%get3A_78] {strides = array<i32>} : memref<32xi32, #tpu.memory_space<vmem>>, vector<16xi32>,
      %gather3A_80 = tpu.vector_load_idx %arg10[%get3A_79] : memref<4096xf32, #tpu.memory_space<vmem>>[vector<16xi32>], vector<16xf32>,
      %swap3A_81 = arith.index_cast %scan3A_36 : i32 to index
      %swap3A_82 = arith.constant 16 : index
      %swap3A_83 = tpu.vector_load %arg16[%swap3A_81, %swap3A_82] {strides = array<i32>} : memref<256x32xf32, #tpu.memory_space<vmem>>, vector<16xf32>,
      tpu.vector_store %arg16[%swap3A_81, %swap3A_82], %gather3A_80 {strides = array<i32>} : memref<256x32xf32, #tpu.memory_space<vmem>>, vector<16xf32>,
      %gather3A_84 = tpu.vector_load_idx %arg11[%get3A_79] : memref<4096xf32, #tpu.memory_space<vmem>>[vector<16xi32>], vector<16xf32>,
      %swap3A_85 = arith.index_cast %scan3A_36 : i32 to index
      %swap3A_86 = arith.constant 16 : index
      %swap3A_87 = tpu.vector_load %arg17[%swap3A_85, %swap3A_86] {strides = array<i32>} : memref<256x32xf32, #tpu.memory_space<vmem>>, vector<16xf32>,
      tpu.vector_store %arg17[%swap3A_85, %swap3A_86], %gather3A_84 {strides = array<i32>} : memref<256x32xf32, #tpu.memory_space<vmem>>, vector<16xf32>,
      %gather3A_88 = tpu.vector_load_idx %arg12[%get3A_79] : memref<4096xf32, #tpu.memory_space<vmem>>[vector<16xi32>], vector<16xf32>,
      %swap3A_89 = arith.index_cast %scan3A_36 : i32 to index
      %swap3A_90 = arith.constant 16 : index
      %swap3A_91 = tpu.vector_load %arg18[%swap3A_89, %swap3A_90] {strides = array<i32>} : memref<256x32xf32, #tpu.memory_space<vmem>>, vector<16xf32>,
      tpu.vector_store %arg18[%swap3A_89, %swap3A_90], %gather3A_88 {strides = array<i32>} : memref<256x32xf32, #tpu.memory_space<vmem>>, vector<16xf32>,
    }
    %scan3A_35 = arith.constant 256 : i32
    "tpu.region"() ({
      %run_scoped3A = tpu.sem_alloc : memref<!tpu.dma_semaphore, #tpu.memory_space<semaphore_mem>>
      %dma_start3A_36 = arith.constant 0 : i32
      %dma_start3A_37 = tpu.memref_slice %arg6[%mul3A_2, %dma_start3A_36] : memref<8192x32xf32, #tpu.memory_space<hbm>> -> memref<256x32xf32, #tpu.memory_space<hbm>>
      %dma_start3A_38 = arith.constant 0 : i32
      %dma_start3A_39 = tpu.memref_slice %arg6[%mul3A_2, %dma_start3A_38] : memref<8192x32xf32, #tpu.memory_space<hbm>> -> memref<256x32xf32, #tpu.memory_space<hbm>>
      tpu.enqueue_dma source(%arg16 : memref<256x32xf32, #tpu.memory_space<vmem>>) target(%dma_start3A_39 : memref<256x32xf32, #tpu.memory_space<hbm>>) target_semaphore(%run_scoped3A : memref<!tpu.dma_semaphore, #tpu.memory_space<semaphore_mem>>)
      %dma_wait3A = arith.constant 0 : i32
      %dma_wait3A_40 = tpu.memref_slice %arg6[%mul3A_2, %dma_wait3A] : memref<8192x32xf32, #tpu.memory_space<hbm>> -> memref<256x32xf32, #tpu.memory_space<hbm>>
      %dma_wait3A_41 = arith.constant 0 : i32
      %dma_wait3A_42 = tpu.memref_slice %arg6[%mul3A_2, %dma_wait3A_41] : memref<8192x32xf32, #tpu.memory_space<hbm>> -> memref<256x32xf32, #tpu.memory_space<hbm>>
      tpu.wait_dma2 semaphore(%run_scoped3A : memref<!tpu.dma_semaphore, #tpu.memory_space<semaphore_mem>>) src(%arg16 : memref<256x32xf32, #tpu.memory_space<vmem>>) dst(%dma_wait3A_42 : memref<256x32xf32, #tpu.memory_space<hbm>>)
      tpu.yield
    }) : () -> ()
    "tpu.region"() ({
      %run_scoped3A = tpu.sem_alloc : memref<!tpu.dma_semaphore, #tpu.memory_space<semaphore_mem>>
      %dma_start3A_36 = arith.constant 0 : i32
      %dma_start3A_37 = tpu.memref_slice %arg7[%mul3A_2, %dma_start3A_36] : memref<8192x32xf32, #tpu.memory_space<hbm>> -> memref<256x32xf32, #tpu.memory_space<hbm>>
      %dma_start3A_38 = arith.constant 0 : i32
      %dma_start3A_39 = tpu.memref_slice %arg7[%mul3A_2, %dma_start3A_38] : memref<8192x32xf32, #tpu.memory_space<hbm>> -> memref<256x32xf32, #tpu.memory_space<hbm>>
      tpu.enqueue_dma source(%arg17 : memref<256x32xf32, #tpu.memory_space<vmem>>) target(%dma_start3A_39 : memref<256x32xf32, #tpu.memory_space<hbm>>) target_semaphore(%run_scoped3A : memref<!tpu.dma_semaphore, #tpu.memory_space<semaphore_mem>>)
      %dma_wait3A = arith.constant 0 : i32
      %dma_wait3A_40 = tpu.memref_slice %arg7[%mul3A_2, %dma_wait3A] : memref<8192x32xf32, #tpu.memory_space<hbm>> -> memref<256x32xf32, #tpu.memory_space<hbm>>
      %dma_wait3A_41 = arith.constant 0 : i32
      %dma_wait3A_42 = tpu.memref_slice %arg7[%mul3A_2, %dma_wait3A_41] : memref<8192x32xf32, #tpu.memory_space<hbm>> -> memref<256x32xf32, #tpu.memory_space<hbm>>
      tpu.wait_dma2 semaphore(%run_scoped3A : memref<!tpu.dma_semaphore, #tpu.memory_space<semaphore_mem>>) src(%arg17 : memref<256x32xf32, #tpu.memory_space<vmem>>) dst(%dma_wait3A_42 : memref<256x32xf32, #tpu.memory_space<hbm>>)
      tpu.yield
    }) : () -> ()
    "tpu.region"() ({
      %run_scoped3A = tpu.sem_alloc : memref<!tpu.dma_semaphore, #tpu.memory_space<semaphore_mem>>
      %dma_start3A_36 = arith.constant 0 : i32
      %dma_start3A_37 = tpu.memref_slice %arg8[%mul3A_2, %dma_start3A_36] : memref<8192x32xf32, #tpu.memory_space<hbm>> -> memref<256x32xf32, #tpu.memory_space<hbm>>
      %dma_start3A_38 = arith.constant 0 : i32
      %dma_start3A_39 = tpu.memref_slice %arg8[%mul3A_2, %dma_start3A_38] : memref<8192x32xf32, #tpu.memory_space<hbm>> -> memref<256x32xf32, #tpu.memory_space<hbm>>
      tpu.enqueue_dma source(%arg18 : memref<256x32xf32, #tpu.memory_space<vmem>>) target(%dma_start3A_39 : memref<256x32xf32, #tpu.memory_space<hbm>>) target_semaphore(%run_scoped3A : memref<!tpu.dma_semaphore, #tpu.memory_space<semaphore_mem>>)
      %dma_wait3A = arith.constant 0 : i32
      %dma_wait3A_40 = tpu.memref_slice %arg8[%mul3A_2, %dma_wait3A] : memref<8192x32xf32, #tpu.memory_space<hbm>> -> memref<256x32xf32, #tpu.memory_space<hbm>>
      %dma_wait3A_41 = arith.constant 0 : i32
      %dma_wait3A_42 = tpu.memref_slice %arg8[%mul3A_2, %dma_wait3A_41] : memref<8192x32xf32, #tpu.memory_space<hbm>> -> memref<256x32xf32, #tpu.memory_space<hbm>>
      tpu.wait_dma2 semaphore(%run_scoped3A : memref<!tpu.dma_semaphore, #tpu.memory_space<semaphore_mem>>) src(%arg18 : memref<256x32xf32, #tpu.memory_space<vmem>>) dst(%dma_wait3A_42 : memref<256x32xf32, #tpu.memory_space<hbm>>)
      tpu.yield
    }) : () -> ()
    return
  }
}

module attributes {stable_mosaic.version = 14 : i64} {
  func.func @_fps_body(%arg0: memref<8x4096xf32, #tpu.memory_space<vmem>>, %arg1: memref<8x4096xf32, #tpu.memory_space<vmem>>, %arg2: memref<8x4096xf32, #tpu.memory_space<vmem>>, %arg3: memref<8x1xi32, #tpu.memory_space<vmem>>, %arg4: memref<8x1024xi32, #tpu.memory_space<vmem>>, %arg5: memref<8x1024xf32, #tpu.memory_space<vmem>>, %arg6: memref<8x1024xf32, #tpu.memory_space<vmem>>, %arg7: memref<8x1024xf32, #tpu.memory_space<vmem>>) attributes {dimension_semantics = [], scalar_prefetch = 0 : i64, scratch_operands = 0 : i64, tpu.core_type = #tpu.core_type<tc>} {
    %get3A = arith.constant 0 : index
    %get3A_0 = arith.constant 0 : index
    %get3A_1 = vector.load %arg0[%get3A, %get3A_0] : memref<8x4096xf32, #tpu.memory_space<vmem>>, vector<8x4096xf32>
    %get3A_2 = arith.constant 0 : index
    %get3A_3 = arith.constant 0 : index
    %get3A_4 = vector.load %arg1[%get3A_2, %get3A_3] : memref<8x4096xf32, #tpu.memory_space<vmem>>, vector<8x4096xf32>
    %get3A_5 = arith.constant 0 : index
    %get3A_6 = arith.constant 0 : index
    %get3A_7 = vector.load %arg2[%get3A_5, %get3A_6] : memref<8x4096xf32, #tpu.memory_space<vmem>>, vector<8x4096xf32>
    %iota3A = tpu.iota {dimensions = array<i32: 1>} : vector<8x4096xi32>
    %get3A_8 = arith.constant 0 : index
    %get3A_9 = arith.constant 0 : index
    %get3A_10 = vector.load %arg3[%get3A_8, %get3A_9] : memref<8x1xi32, #tpu.memory_space<vmem>>, vector<8x1xi32>
    %eq3A = vector.broadcast %get3A_10 : vector<8x1xi32> to vector<8x4096xi32>
    %eq3A_11 = arith.cmpi eq, %iota3A, %eq3A : vector<8x4096xi32>
    %jit3A = arith.constant 0.000000e+00 : f32
    %broadcast_in_dim3A = vector.broadcast %jit3A : f32 to vector<8x4096xf32>
    %select_n3A = arith.select %eq3A_11, %get3A_1, %broadcast_in_dim3A : vector<8x4096xi1>, vector<8x4096xf32>
    %reduce_sum3A = arith.constant dense<0.000000e+00> : vector<8xf32>
    %reduce_sum3A_12 = vector.multi_reduction <add>, %select_n3A, %reduce_sum3A [1] : vector<8x4096xf32> to vector<8xf32>
    %broadcast_in_dim3A_13 = vector.shape_cast %reduce_sum3A_12 : vector<8xf32> to vector<8x1xf32>
    %jit3A_14 = arith.constant 0.000000e+00 : f32
    %broadcast_in_dim3A_15 = vector.broadcast %jit3A_14 : f32 to vector<8x4096xf32>
    %select_n3A_16 = arith.select %eq3A_11, %get3A_4, %broadcast_in_dim3A_15 : vector<8x4096xi1>, vector<8x4096xf32>
    %reduce_sum3A_17 = arith.constant dense<0.000000e+00> : vector<8xf32>
    %reduce_sum3A_18 = vector.multi_reduction <add>, %select_n3A_16, %reduce_sum3A_17 [1] : vector<8x4096xf32> to vector<8xf32>
    %broadcast_in_dim3A_19 = vector.shape_cast %reduce_sum3A_18 : vector<8xf32> to vector<8x1xf32>
    %jit3A_20 = arith.constant 0.000000e+00 : f32
    %broadcast_in_dim3A_21 = vector.broadcast %jit3A_20 : f32 to vector<8x4096xf32>
    %select_n3A_22 = arith.select %eq3A_11, %get3A_7, %broadcast_in_dim3A_21 : vector<8x4096xi1>, vector<8x4096xf32>
    %reduce_sum3A_23 = arith.constant dense<0.000000e+00> : vector<8xf32>
    %reduce_sum3A_24 = vector.multi_reduction <add>, %select_n3A_22, %reduce_sum3A_23 [1] : vector<8x4096xf32> to vector<8xf32>
    %broadcast_in_dim3A_25 = vector.shape_cast %reduce_sum3A_24 : vector<8xf32> to vector<8x1xf32>
    %iota3A_26 = tpu.iota {dimensions = array<i32: 1>} : vector<8x128xi32>
    %broadcast_in_dim3A_27 = arith.constant 0.000000e+00 : f32
    %broadcast_in_dim3A_28 = vector.broadcast %broadcast_in_dim3A_27 : f32 to vector<8x128xf32>
    %broadcast_in_dim3A_29 = arith.constant 0 : i32
    %broadcast_in_dim3A_30 = vector.broadcast %broadcast_in_dim3A_29 : i32 to vector<8x128xi32>
    %eq3A_31 = arith.constant 0 : i32
    %eq3A_32 = vector.broadcast %eq3A_31 : i32 to vector<8x128xi32>
    %eq3A_33 = arith.cmpi eq, %iota3A_26, %eq3A_32 : vector<8x128xi32>
    %broadcast_in_dim3A_34 = vector.shape_cast %get3A_10 : vector<8x1xi32> to vector<8x1xi32>
    %broadcast_in_dim3A_35 = vector.broadcast %broadcast_in_dim3A_34 : vector<8x1xi32> to vector<8x128xi32>
    %select_n3A_36 = arith.select %eq3A_33, %broadcast_in_dim3A_35, %broadcast_in_dim3A_30 : vector<8x128xi1>, vector<8x128xi32>
    %broadcast_in_dim3A_37 = vector.shape_cast %broadcast_in_dim3A_13 : vector<8x1xf32> to vector<8x1xf32>
    %broadcast_in_dim3A_38 = vector.broadcast %broadcast_in_dim3A_37 : vector<8x1xf32> to vector<8x128xf32>
    %select_n3A_39 = arith.select %eq3A_33, %broadcast_in_dim3A_38, %broadcast_in_dim3A_28 : vector<8x128xi1>, vector<8x128xf32>
    %broadcast_in_dim3A_40 = vector.shape_cast %broadcast_in_dim3A_19 : vector<8x1xf32> to vector<8x1xf32>
    %broadcast_in_dim3A_41 = vector.broadcast %broadcast_in_dim3A_40 : vector<8x1xf32> to vector<8x128xf32>
    %select_n3A_42 = arith.select %eq3A_33, %broadcast_in_dim3A_41, %broadcast_in_dim3A_28 : vector<8x128xi1>, vector<8x128xf32>
    %broadcast_in_dim3A_43 = vector.shape_cast %broadcast_in_dim3A_25 : vector<8x1xf32> to vector<8x1xf32>
    %broadcast_in_dim3A_44 = vector.broadcast %broadcast_in_dim3A_43 : vector<8x1xf32> to vector<8x128xf32>
    %select_n3A_45 = arith.select %eq3A_33, %broadcast_in_dim3A_44, %broadcast_in_dim3A_28 : vector<8x128xi1>, vector<8x128xf32>
    %scan3A = arith.constant 0 : i32
    %scan3A_46 = arith.constant 1 : i32
    %scan3A_47 = arith.constant 127 : i32
    %scan3A_48 = arith.addi %scan3A_46, %scan3A_47 : i32
    %scan3A_49 = arith.constant 1 : i32
    %scan3A_50:7 = scf.for %scan3A_196 = %scan3A_46 to %scan3A_48 step %scan3A_49 iter_args(%scan3A_197 = %broadcast_in_dim3A_13, %scan3A_198 = %broadcast_in_dim3A_19, %scan3A_199 = %broadcast_in_dim3A_25, %scan3A_200 = %select_n3A_36, %scan3A_201 = %select_n3A_39, %scan3A_202 = %select_n3A_42, %scan3A_203 = %select_n3A_45) -> (vector<8x1xf32>, vector<8x1xf32>, vector<8x1xf32>, vector<8x128xi32>, vector<8x128xf32>, vector<8x128xf32>, vector<8x128xf32>)  : i32 {
      %sub3A = vector.broadcast %scan3A_197 : vector<8x1xf32> to vector<8x4096xf32>
      %sub3A_204 = arith.subf %get3A_1, %sub3A : vector<8x4096xf32>
      %sub3A_205 = vector.broadcast %scan3A_198 : vector<8x1xf32> to vector<8x4096xf32>
      %sub3A_206 = arith.subf %get3A_4, %sub3A_205 : vector<8x4096xf32>
      %sub3A_207 = vector.broadcast %scan3A_199 : vector<8x1xf32> to vector<8x4096xf32>
      %sub3A_208 = arith.subf %get3A_7, %sub3A_207 : vector<8x4096xf32>
      %mul3A = arith.mulf %sub3A_204, %sub3A_204 : vector<8x4096xf32>
      %mul3A_209 = arith.mulf %sub3A_206, %sub3A_206 : vector<8x4096xf32>
      %add3A = arith.addf %mul3A, %mul3A_209 : vector<8x4096xf32>
      %mul3A_210 = arith.mulf %sub3A_208, %sub3A_208 : vector<8x4096xf32>
      %add3A_211 = arith.addf %add3A, %mul3A_210 : vector<8x4096xf32>
      %add3A_212 = arith.constant 9.99999996E-13 : f32
      %add3A_213 = vector.broadcast %add3A_212 : f32 to vector<8x4096xf32>
      %add3A_214 = arith.addf %add3A_211, %add3A_213 : vector<8x4096xf32>
      %sqrt3A = math.sqrt %add3A_214 : vector<8x4096xf32>
      %reduce_max3A = arith.constant dense<0xFF800000> : vector<8xf32>
      %reduce_max3A_215 = vector.multi_reduction <maximumf>, %sqrt3A, %reduce_max3A [1] : vector<8x4096xf32> to vector<8xf32>
      %broadcast_in_dim3A_216 = vector.shape_cast %reduce_max3A_215 : vector<8xf32> to vector<8x1xf32>
      %eq3A_217 = vector.broadcast %broadcast_in_dim3A_216 : vector<8x1xf32> to vector<8x4096xf32>
      %eq3A_218 = arith.cmpf oeq, %sqrt3A, %eq3A_217 : vector<8x4096xf32>
      %jit3A_219 = arith.constant 4096 : i32
      %broadcast_in_dim3A_220 = vector.broadcast %jit3A_219 : i32 to vector<8x4096xi32>
      %select_n3A_221 = arith.select %eq3A_218, %iota3A, %broadcast_in_dim3A_220 : vector<8x4096xi1>, vector<8x4096xi32>
      %reduce_min3A = arith.constant dense<2147483647> : vector<8xi32>
      %reduce_min3A_222 = vector.multi_reduction <minsi>, %select_n3A_221, %reduce_min3A [1] : vector<8x4096xi32> to vector<8xi32>
      %broadcast_in_dim3A_223 = vector.shape_cast %reduce_min3A_222 : vector<8xi32> to vector<8x1xi32>
      %eq3A_224 = vector.broadcast %broadcast_in_dim3A_223 : vector<8x1xi32> to vector<8x4096xi32>
      %eq3A_225 = arith.cmpi eq, %iota3A, %eq3A_224 : vector<8x4096xi32>
      %jit3A_226 = arith.constant 0.000000e+00 : f32
      %broadcast_in_dim3A_227 = vector.broadcast %jit3A_226 : f32 to vector<8x4096xf32>
      %select_n3A_228 = arith.select %eq3A_225, %get3A_1, %broadcast_in_dim3A_227 : vector<8x4096xi1>, vector<8x4096xf32>
      %reduce_sum3A_229 = arith.constant dense<0.000000e+00> : vector<8xf32>
      %reduce_sum3A_230 = vector.multi_reduction <add>, %select_n3A_228, %reduce_sum3A_229 [1] : vector<8x4096xf32> to vector<8xf32>
      %broadcast_in_dim3A_231 = vector.shape_cast %reduce_sum3A_230 : vector<8xf32> to vector<8x1xf32>
      %jit3A_232 = arith.constant 0.000000e+00 : f32
      %broadcast_in_dim3A_233 = vector.broadcast %jit3A_232 : f32 to vector<8x4096xf32>
      %select_n3A_234 = arith.select %eq3A_225, %get3A_4, %broadcast_in_dim3A_233 : vector<8x4096xi1>, vector<8x4096xf32>
      %reduce_sum3A_235 = arith.constant dense<0.000000e+00> : vector<8xf32>
      %reduce_sum3A_236 = vector.multi_reduction <add>, %select_n3A_234, %reduce_sum3A_235 [1] : vector<8x4096xf32> to vector<8xf32>
      %broadcast_in_dim3A_237 = vector.shape_cast %reduce_sum3A_236 : vector<8xf32> to vector<8x1xf32>
      %jit3A_238 = arith.constant 0.000000e+00 : f32
      %broadcast_in_dim3A_239 = vector.broadcast %jit3A_238 : f32 to vector<8x4096xf32>
      %select_n3A_240 = arith.select %eq3A_225, %get3A_7, %broadcast_in_dim3A_239 : vector<8x4096xi1>, vector<8x4096xf32>
      %reduce_sum3A_241 = arith.constant dense<0.000000e+00> : vector<8xf32>
      %reduce_sum3A_242 = vector.multi_reduction <add>, %select_n3A_240, %reduce_sum3A_241 [1] : vector<8x4096xf32> to vector<8xf32>
      %broadcast_in_dim3A_243 = vector.shape_cast %reduce_sum3A_242 : vector<8xf32> to vector<8x1xf32>
      %sub3A_244 = arith.subi %scan3A_196, %scan3A : i32
      %eq3A_245 = vector.broadcast %sub3A_244 : i32 to vector<8x128xi32>
      %eq3A_246 = arith.cmpi eq, %iota3A_26, %eq3A_245 : vector<8x128xi32>
      %broadcast_in_dim3A_247 = vector.shape_cast %broadcast_in_dim3A_223 : vector<8x1xi32> to vector<8x1xi32>
      %broadcast_in_dim3A_248 = vector.broadcast %broadcast_in_dim3A_247 : vector<8x1xi32> to vector<8x128xi32>
      %select_n3A_249 = arith.select %eq3A_246, %broadcast_in_dim3A_248, %scan3A_200 : vector<8x128xi1>, vector<8x128xi32>
      %broadcast_in_dim3A_250 = vector.shape_cast %broadcast_in_dim3A_231 : vector<8x1xf32> to vector<8x1xf32>
      %broadcast_in_dim3A_251 = vector.broadcast %broadcast_in_dim3A_250 : vector<8x1xf32> to vector<8x128xf32>
      %select_n3A_252 = arith.select %eq3A_246, %broadcast_in_dim3A_251, %scan3A_201 : vector<8x128xi1>, vector<8x128xf32>
      %broadcast_in_dim3A_253 = vector.shape_cast %broadcast_in_dim3A_237 : vector<8x1xf32> to vector<8x1xf32>
      %broadcast_in_dim3A_254 = vector.broadcast %broadcast_in_dim3A_253 : vector<8x1xf32> to vector<8x128xf32>
      %select_n3A_255 = arith.select %eq3A_246, %broadcast_in_dim3A_254, %scan3A_202 : vector<8x128xi1>, vector<8x128xf32>
      %broadcast_in_dim3A_256 = vector.shape_cast %broadcast_in_dim3A_243 : vector<8x1xf32> to vector<8x1xf32>
      %broadcast_in_dim3A_257 = vector.broadcast %broadcast_in_dim3A_256 : vector<8x1xf32> to vector<8x128xf32>
      %select_n3A_258 = arith.select %eq3A_246, %broadcast_in_dim3A_257, %scan3A_203 : vector<8x128xi1>, vector<8x128xf32>
      scf.yield %broadcast_in_dim3A_231, %broadcast_in_dim3A_237, %broadcast_in_dim3A_243, %select_n3A_249, %select_n3A_252, %select_n3A_255, %select_n3A_258 : vector<8x1xf32>, vector<8x1xf32>, vector<8x1xf32>, vector<8x128xi32>, vector<8x128xf32>, vector<8x128xf32>, vector<8x128xf32>
    }
    %scan3A_51 = arith.constant 127 : i32
    %swap3A = arith.constant 0 : index
    %swap3A_52 = arith.constant 0 : index
    %swap3A_53 = vector.load %arg4[%swap3A, %swap3A_52] : memref<8x1024xi32, #tpu.memory_space<vmem>>, vector<8x128xi32>
    tpu.vector_store %arg4[%swap3A, %swap3A_52], %scan3A_50#3 {strides = array<i32>} : memref<8x1024xi32, #tpu.memory_space<vmem>>, vector<8x128xi32>,
    %swap3A_54 = arith.constant 0 : index
    %swap3A_55 = arith.constant 0 : index
    %swap3A_56 = vector.load %arg5[%swap3A_54, %swap3A_55] : memref<8x1024xf32, #tpu.memory_space<vmem>>, vector<8x128xf32>
    tpu.vector_store %arg5[%swap3A_54, %swap3A_55], %scan3A_50#4 {strides = array<i32>} : memref<8x1024xf32, #tpu.memory_space<vmem>>, vector<8x128xf32>,
    %swap3A_57 = arith.constant 0 : index
    %swap3A_58 = arith.constant 0 : index
    %swap3A_59 = vector.load %arg6[%swap3A_57, %swap3A_58] : memref<8x1024xf32, #tpu.memory_space<vmem>>, vector<8x128xf32>
    tpu.vector_store %arg6[%swap3A_57, %swap3A_58], %scan3A_50#5 {strides = array<i32>} : memref<8x1024xf32, #tpu.memory_space<vmem>>, vector<8x128xf32>,
    %swap3A_60 = arith.constant 0 : index
    %swap3A_61 = arith.constant 0 : index
    %swap3A_62 = vector.load %arg7[%swap3A_60, %swap3A_61] : memref<8x1024xf32, #tpu.memory_space<vmem>>, vector<8x128xf32>
    tpu.vector_store %arg7[%swap3A_60, %swap3A_61], %scan3A_50#6 {strides = array<i32>} : memref<8x1024xf32, #tpu.memory_space<vmem>>, vector<8x128xf32>,
    %scan3A_63 = arith.constant 128 : i32
    %scan3A_64 = arith.constant 128 : i32
    %scan3A_65 = arith.constant 128 : i32
    %scan3A_66 = arith.addi %scan3A_64, %scan3A_65 : i32
    %scan3A_67 = arith.constant 1 : i32
    %scan3A_68:7 = scf.for %scan3A_196 = %scan3A_64 to %scan3A_66 step %scan3A_67 iter_args(%scan3A_197 = %scan3A_50#0, %scan3A_198 = %scan3A_50#1, %scan3A_199 = %scan3A_50#2, %scan3A_200 = %broadcast_in_dim3A_30, %scan3A_201 = %broadcast_in_dim3A_28, %scan3A_202 = %broadcast_in_dim3A_28, %scan3A_203 = %broadcast_in_dim3A_28) -> (vector<8x1xf32>, vector<8x1xf32>, vector<8x1xf32>, vector<8x128xi32>, vector<8x128xf32>, vector<8x128xf32>, vector<8x128xf32>)  : i32 {
      %sub3A = vector.broadcast %scan3A_197 : vector<8x1xf32> to vector<8x4096xf32>
      %sub3A_204 = arith.subf %get3A_1, %sub3A : vector<8x4096xf32>
      %sub3A_205 = vector.broadcast %scan3A_198 : vector<8x1xf32> to vector<8x4096xf32>
      %sub3A_206 = arith.subf %get3A_4, %sub3A_205 : vector<8x4096xf32>
      %sub3A_207 = vector.broadcast %scan3A_199 : vector<8x1xf32> to vector<8x4096xf32>
      %sub3A_208 = arith.subf %get3A_7, %sub3A_207 : vector<8x4096xf32>
      %mul3A = arith.mulf %sub3A_204, %sub3A_204 : vector<8x4096xf32>
      %mul3A_209 = arith.mulf %sub3A_206, %sub3A_206 : vector<8x4096xf32>
      %add3A = arith.addf %mul3A, %mul3A_209 : vector<8x4096xf32>
      %mul3A_210 = arith.mulf %sub3A_208, %sub3A_208 : vector<8x4096xf32>
      %add3A_211 = arith.addf %add3A, %mul3A_210 : vector<8x4096xf32>
      %add3A_212 = arith.constant 9.99999996E-13 : f32
      %add3A_213 = vector.broadcast %add3A_212 : f32 to vector<8x4096xf32>
      %add3A_214 = arith.addf %add3A_211, %add3A_213 : vector<8x4096xf32>
      %sqrt3A = math.sqrt %add3A_214 : vector<8x4096xf32>
      %reduce_max3A = arith.constant dense<0xFF800000> : vector<8xf32>
      %reduce_max3A_215 = vector.multi_reduction <maximumf>, %sqrt3A, %reduce_max3A [1] : vector<8x4096xf32> to vector<8xf32>
      %broadcast_in_dim3A_216 = vector.shape_cast %reduce_max3A_215 : vector<8xf32> to vector<8x1xf32>
      %eq3A_217 = vector.broadcast %broadcast_in_dim3A_216 : vector<8x1xf32> to vector<8x4096xf32>
      %eq3A_218 = arith.cmpf oeq, %sqrt3A, %eq3A_217 : vector<8x4096xf32>
      %jit3A_219 = arith.constant 4096 : i32
      %broadcast_in_dim3A_220 = vector.broadcast %jit3A_219 : i32 to vector<8x4096xi32>
      %select_n3A_221 = arith.select %eq3A_218, %iota3A, %broadcast_in_dim3A_220 : vector<8x4096xi1>, vector<8x4096xi32>
      %reduce_min3A = arith.constant dense<2147483647> : vector<8xi32>
      %reduce_min3A_222 = vector.multi_reduction <minsi>, %select_n3A_221, %reduce_min3A [1] : vector<8x4096xi32> to vector<8xi32>
      %broadcast_in_dim3A_223 = vector.shape_cast %reduce_min3A_222 : vector<8xi32> to vector<8x1xi32>
      %eq3A_224 = vector.broadcast %broadcast_in_dim3A_223 : vector<8x1xi32> to vector<8x4096xi32>
      %eq3A_225 = arith.cmpi eq, %iota3A, %eq3A_224 : vector<8x4096xi32>
      %jit3A_226 = arith.constant 0.000000e+00 : f32
      %broadcast_in_dim3A_227 = vector.broadcast %jit3A_226 : f32 to vector<8x4096xf32>
      %select_n3A_228 = arith.select %eq3A_225, %get3A_1, %broadcast_in_dim3A_227 : vector<8x4096xi1>, vector<8x4096xf32>
      %reduce_sum3A_229 = arith.constant dense<0.000000e+00> : vector<8xf32>
      %reduce_sum3A_230 = vector.multi_reduction <add>, %select_n3A_228, %reduce_sum3A_229 [1] : vector<8x4096xf32> to vector<8xf32>
      %broadcast_in_dim3A_231 = vector.shape_cast %reduce_sum3A_230 : vector<8xf32> to vector<8x1xf32>
      %jit3A_232 = arith.constant 0.000000e+00 : f32
      %broadcast_in_dim3A_233 = vector.broadcast %jit3A_232 : f32 to vector<8x4096xf32>
      %select_n3A_234 = arith.select %eq3A_225, %get3A_4, %broadcast_in_dim3A_233 : vector<8x4096xi1>, vector<8x4096xf32>
      %reduce_sum3A_235 = arith.constant dense<0.000000e+00> : vector<8xf32>
      %reduce_sum3A_236 = vector.multi_reduction <add>, %select_n3A_234, %reduce_sum3A_235 [1] : vector<8x4096xf32> to vector<8xf32>
      %broadcast_in_dim3A_237 = vector.shape_cast %reduce_sum3A_236 : vector<8xf32> to vector<8x1xf32>
      %jit3A_238 = arith.constant 0.000000e+00 : f32
      %broadcast_in_dim3A_239 = vector.broadcast %jit3A_238 : f32 to vector<8x4096xf32>
      %select_n3A_240 = arith.select %eq3A_225, %get3A_7, %broadcast_in_dim3A_239 : vector<8x4096xi1>, vector<8x4096xf32>
      %reduce_sum3A_241 = arith.constant dense<0.000000e+00> : vector<8xf32>
      %reduce_sum3A_242 = vector.multi_reduction <add>, %select_n3A_240, %reduce_sum3A_241 [1] : vector<8x4096xf32> to vector<8xf32>
      %broadcast_in_dim3A_243 = vector.shape_cast %reduce_sum3A_242 : vector<8xf32> to vector<8x1xf32>
      %sub3A_244 = arith.subi %scan3A_196, %scan3A_63 : i32
      %eq3A_245 = vector.broadcast %sub3A_244 : i32 to vector<8x128xi32>
      %eq3A_246 = arith.cmpi eq, %iota3A_26, %eq3A_245 : vector<8x128xi32>
      %broadcast_in_dim3A_247 = vector.shape_cast %broadcast_in_dim3A_223 : vector<8x1xi32> to vector<8x1xi32>
      %broadcast_in_dim3A_248 = vector.broadcast %broadcast_in_dim3A_247 : vector<8x1xi32> to vector<8x128xi32>
      %select_n3A_249 = arith.select %eq3A_246, %broadcast_in_dim3A_248, %scan3A_200 : vector<8x128xi1>, vector<8x128xi32>
      %broadcast_in_dim3A_250 = vector.shape_cast %broadcast_in_dim3A_231 : vector<8x1xf32> to vector<8x1xf32>
      %broadcast_in_dim3A_251 = vector.broadcast %broadcast_in_dim3A_250 : vector<8x1xf32> to vector<8x128xf32>
      %select_n3A_252 = arith.select %eq3A_246, %broadcast_in_dim3A_251, %scan3A_201 : vector<8x128xi1>, vector<8x128xf32>
      %broadcast_in_dim3A_253 = vector.shape_cast %broadcast_in_dim3A_237 : vector<8x1xf32> to vector<8x1xf32>
      %broadcast_in_dim3A_254 = vector.broadcast %broadcast_in_dim3A_253 : vector<8x1xf32> to vector<8x128xf32>
      %select_n3A_255 = arith.select %eq3A_246, %broadcast_in_dim3A_254, %scan3A_202 : vector<8x128xi1>, vector<8x128xf32>
      %broadcast_in_dim3A_256 = vector.shape_cast %broadcast_in_dim3A_243 : vector<8x1xf32> to vector<8x1xf32>
      %broadcast_in_dim3A_257 = vector.broadcast %broadcast_in_dim3A_256 : vector<8x1xf32> to vector<8x128xf32>
      %select_n3A_258 = arith.select %eq3A_246, %broadcast_in_dim3A_257, %scan3A_203 : vector<8x128xi1>, vector<8x128xf32>
      scf.yield %broadcast_in_dim3A_231, %broadcast_in_dim3A_237, %broadcast_in_dim3A_243, %select_n3A_249, %select_n3A_252, %select_n3A_255, %select_n3A_258 : vector<8x1xf32>, vector<8x1xf32>, vector<8x1xf32>, vector<8x128xi32>, vector<8x128xf32>, vector<8x128xf32>, vector<8x128xf32>
    }
    %scan3A_69 = arith.constant 128 : i32
    %swap3A_70 = arith.constant 0 : index
    %swap3A_71 = arith.constant 128 : index
    %swap3A_72 = vector.load %arg4[%swap3A_70, %swap3A_71] : memref<8x1024xi32, #tpu.memory_space<vmem>>, vector<8x128xi32>
    tpu.vector_store %arg4[%swap3A_70, %swap3A_71], %scan3A_68#3 {strides = array<i32>} : memref<8x1024xi32, #tpu.memory_space<vmem>>, vector<8x128xi32>,
    %swap3A_73 = arith.constant 0 : index
    %swap3A_74 = arith.constant 128 : index
    %swap3A_75 = vector.load %arg5[%swap3A_73, %swap3A_74] : memref<8x1024xf32, #tpu.memory_space<vmem>>, vector<8x128xf32>
    tpu.vector_store %arg5[%swap3A_73, %swap3A_74], %scan3A_68#4 {strides = array<i32>} : memref<8x1024xf32, #tpu.memory_space<vmem>>, vector<8x128xf32>,
    %swap3A_76 = arith.constant 0 : index
    %swap3A_77 = arith.constant 128 : index
    %swap3A_78 = vector.load %arg6[%swap3A_76, %swap3A_77] : memref<8x1024xf32, #tpu.memory_space<vmem>>, vector<8x128xf32>
    tpu.vector_store %arg6[%swap3A_76, %swap3A_77], %scan3A_68#5 {strides = array<i32>} : memref<8x1024xf32, #tpu.memory_space<vmem>>, vector<8x128xf32>,
    %swap3A_79 = arith.constant 0 : index
    %swap3A_80 = arith.constant 128 : index
    %swap3A_81 = vector.load %arg7[%swap3A_79, %swap3A_80] : memref<8x1024xf32, #tpu.memory_space<vmem>>, vector<8x128xf32>
    tpu.vector_store %arg7[%swap3A_79, %swap3A_80], %scan3A_68#6 {strides = array<i32>} : memref<8x1024xf32, #tpu.memory_space<vmem>>, vector<8x128xf32>,
    %scan3A_82 = arith.constant 256 : i32
    %scan3A_83 = arith.constant 256 : i32
    %scan3A_84 = arith.constant 128 : i32
    %scan3A_85 = arith.addi %scan3A_83, %scan3A_84 : i32
    %scan3A_86 = arith.constant 1 : i32
    %scan3A_87:7 = scf.for %scan3A_196 = %scan3A_83 to %scan3A_85 step %scan3A_86 iter_args(%scan3A_197 = %scan3A_68#0, %scan3A_198 = %scan3A_68#1, %scan3A_199 = %scan3A_68#2, %scan3A_200 = %broadcast_in_dim3A_30, %scan3A_201 = %broadcast_in_dim3A_28, %scan3A_202 = %broadcast_in_dim3A_28, %scan3A_203 = %broadcast_in_dim3A_28) -> (vector<8x1xf32>, vector<8x1xf32>, vector<8x1xf32>, vector<8x128xi32>, vector<8x128xf32>, vector<8x128xf32>, vector<8x128xf32>)  : i32 {
      %sub3A = vector.broadcast %scan3A_197 : vector<8x1xf32> to vector<8x4096xf32>
      %sub3A_204 = arith.subf %get3A_1, %sub3A : vector<8x4096xf32>
      %sub3A_205 = vector.broadcast %scan3A_198 : vector<8x1xf32> to vector<8x4096xf32>
      %sub3A_206 = arith.subf %get3A_4, %sub3A_205 : vector<8x4096xf32>
      %sub3A_207 = vector.broadcast %scan3A_199 : vector<8x1xf32> to vector<8x4096xf32>
      %sub3A_208 = arith.subf %get3A_7, %sub3A_207 : vector<8x4096xf32>
      %mul3A = arith.mulf %sub3A_204, %sub3A_204 : vector<8x4096xf32>
      %mul3A_209 = arith.mulf %sub3A_206, %sub3A_206 : vector<8x4096xf32>
      %add3A = arith.addf %mul3A, %mul3A_209 : vector<8x4096xf32>
      %mul3A_210 = arith.mulf %sub3A_208, %sub3A_208 : vector<8x4096xf32>
      %add3A_211 = arith.addf %add3A, %mul3A_210 : vector<8x4096xf32>
      %add3A_212 = arith.constant 9.99999996E-13 : f32
      %add3A_213 = vector.broadcast %add3A_212 : f32 to vector<8x4096xf32>
      %add3A_214 = arith.addf %add3A_211, %add3A_213 : vector<8x4096xf32>
      %sqrt3A = math.sqrt %add3A_214 : vector<8x4096xf32>
      %reduce_max3A = arith.constant dense<0xFF800000> : vector<8xf32>
      %reduce_max3A_215 = vector.multi_reduction <maximumf>, %sqrt3A, %reduce_max3A [1] : vector<8x4096xf32> to vector<8xf32>
      %broadcast_in_dim3A_216 = vector.shape_cast %reduce_max3A_215 : vector<8xf32> to vector<8x1xf32>
      %eq3A_217 = vector.broadcast %broadcast_in_dim3A_216 : vector<8x1xf32> to vector<8x4096xf32>
      %eq3A_218 = arith.cmpf oeq, %sqrt3A, %eq3A_217 : vector<8x4096xf32>
      %jit3A_219 = arith.constant 4096 : i32
      %broadcast_in_dim3A_220 = vector.broadcast %jit3A_219 : i32 to vector<8x4096xi32>
      %select_n3A_221 = arith.select %eq3A_218, %iota3A, %broadcast_in_dim3A_220 : vector<8x4096xi1>, vector<8x4096xi32>
      %reduce_min3A = arith.constant dense<2147483647> : vector<8xi32>
      %reduce_min3A_222 = vector.multi_reduction <minsi>, %select_n3A_221, %reduce_min3A [1] : vector<8x4096xi32> to vector<8xi32>
      %broadcast_in_dim3A_223 = vector.shape_cast %reduce_min3A_222 : vector<8xi32> to vector<8x1xi32>
      %eq3A_224 = vector.broadcast %broadcast_in_dim3A_223 : vector<8x1xi32> to vector<8x4096xi32>
      %eq3A_225 = arith.cmpi eq, %iota3A, %eq3A_224 : vector<8x4096xi32>
      %jit3A_226 = arith.constant 0.000000e+00 : f32
      %broadcast_in_dim3A_227 = vector.broadcast %jit3A_226 : f32 to vector<8x4096xf32>
      %select_n3A_228 = arith.select %eq3A_225, %get3A_1, %broadcast_in_dim3A_227 : vector<8x4096xi1>, vector<8x4096xf32>
      %reduce_sum3A_229 = arith.constant dense<0.000000e+00> : vector<8xf32>
      %reduce_sum3A_230 = vector.multi_reduction <add>, %select_n3A_228, %reduce_sum3A_229 [1] : vector<8x4096xf32> to vector<8xf32>
      %broadcast_in_dim3A_231 = vector.shape_cast %reduce_sum3A_230 : vector<8xf32> to vector<8x1xf32>
      %jit3A_232 = arith.constant 0.000000e+00 : f32
      %broadcast_in_dim3A_233 = vector.broadcast %jit3A_232 : f32 to vector<8x4096xf32>
      %select_n3A_234 = arith.select %eq3A_225, %get3A_4, %broadcast_in_dim3A_233 : vector<8x4096xi1>, vector<8x4096xf32>
      %reduce_sum3A_235 = arith.constant dense<0.000000e+00> : vector<8xf32>
      %reduce_sum3A_236 = vector.multi_reduction <add>, %select_n3A_234, %reduce_sum3A_235 [1] : vector<8x4096xf32> to vector<8xf32>
      %broadcast_in_dim3A_237 = vector.shape_cast %reduce_sum3A_236 : vector<8xf32> to vector<8x1xf32>
      %jit3A_238 = arith.constant 0.000000e+00 : f32
      %broadcast_in_dim3A_239 = vector.broadcast %jit3A_238 : f32 to vector<8x4096xf32>
      %select_n3A_240 = arith.select %eq3A_225, %get3A_7, %broadcast_in_dim3A_239 : vector<8x4096xi1>, vector<8x4096xf32>
      %reduce_sum3A_241 = arith.constant dense<0.000000e+00> : vector<8xf32>
      %reduce_sum3A_242 = vector.multi_reduction <add>, %select_n3A_240, %reduce_sum3A_241 [1] : vector<8x4096xf32> to vector<8xf32>
      %broadcast_in_dim3A_243 = vector.shape_cast %reduce_sum3A_242 : vector<8xf32> to vector<8x1xf32>
      %sub3A_244 = arith.subi %scan3A_196, %scan3A_82 : i32
      %eq3A_245 = vector.broadcast %sub3A_244 : i32 to vector<8x128xi32>
      %eq3A_246 = arith.cmpi eq, %iota3A_26, %eq3A_245 : vector<8x128xi32>
      %broadcast_in_dim3A_247 = vector.shape_cast %broadcast_in_dim3A_223 : vector<8x1xi32> to vector<8x1xi32>
      %broadcast_in_dim3A_248 = vector.broadcast %broadcast_in_dim3A_247 : vector<8x1xi32> to vector<8x128xi32>
      %select_n3A_249 = arith.select %eq3A_246, %broadcast_in_dim3A_248, %scan3A_200 : vector<8x128xi1>, vector<8x128xi32>
      %broadcast_in_dim3A_250 = vector.shape_cast %broadcast_in_dim3A_231 : vector<8x1xf32> to vector<8x1xf32>
      %broadcast_in_dim3A_251 = vector.broadcast %broadcast_in_dim3A_250 : vector<8x1xf32> to vector<8x128xf32>
      %select_n3A_252 = arith.select %eq3A_246, %broadcast_in_dim3A_251, %scan3A_201 : vector<8x128xi1>, vector<8x128xf32>
      %broadcast_in_dim3A_253 = vector.shape_cast %broadcast_in_dim3A_237 : vector<8x1xf32> to vector<8x1xf32>
      %broadcast_in_dim3A_254 = vector.broadcast %broadcast_in_dim3A_253 : vector<8x1xf32> to vector<8x128xf32>
      %select_n3A_255 = arith.select %eq3A_246, %broadcast_in_dim3A_254, %scan3A_202 : vector<8x128xi1>, vector<8x128xf32>
      %broadcast_in_dim3A_256 = vector.shape_cast %broadcast_in_dim3A_243 : vector<8x1xf32> to vector<8x1xf32>
      %broadcast_in_dim3A_257 = vector.broadcast %broadcast_in_dim3A_256 : vector<8x1xf32> to vector<8x128xf32>
      %select_n3A_258 = arith.select %eq3A_246, %broadcast_in_dim3A_257, %scan3A_203 : vector<8x128xi1>, vector<8x128xf32>
      scf.yield %broadcast_in_dim3A_231, %broadcast_in_dim3A_237, %broadcast_in_dim3A_243, %select_n3A_249, %select_n3A_252, %select_n3A_255, %select_n3A_258 : vector<8x1xf32>, vector<8x1xf32>, vector<8x1xf32>, vector<8x128xi32>, vector<8x128xf32>, vector<8x128xf32>, vector<8x128xf32>
    }
    %scan3A_88 = arith.constant 128 : i32
    %swap3A_89 = arith.constant 0 : index
    %swap3A_90 = arith.constant 256 : index
    %swap3A_91 = vector.load %arg4[%swap3A_89, %swap3A_90] : memref<8x1024xi32, #tpu.memory_space<vmem>>, vector<8x128xi32>
    tpu.vector_store %arg4[%swap3A_89, %swap3A_90], %scan3A_87#3 {strides = array<i32>} : memref<8x1024xi32, #tpu.memory_space<vmem>>, vector<8x128xi32>,
    %swap3A_92 = arith.constant 0 : index
    %swap3A_93 = arith.constant 256 : index
    %swap3A_94 = vector.load %arg5[%swap3A_92, %swap3A_93] : memref<8x1024xf32, #tpu.memory_space<vmem>>, vector<8x128xf32>
    tpu.vector_store %arg5[%swap3A_92, %swap3A_93], %scan3A_87#4 {strides = array<i32>} : memref<8x1024xf32, #tpu.memory_space<vmem>>, vector<8x128xf32>,
    %swap3A_95 = arith.constant 0 : index
    %swap3A_96 = arith.constant 256 : index
    %swap3A_97 = vector.load %arg6[%swap3A_95, %swap3A_96] : memref<8x1024xf32, #tpu.memory_space<vmem>>, vector<8x128xf32>
    tpu.vector_store %arg6[%swap3A_95, %swap3A_96], %scan3A_87#5 {strides = array<i32>} : memref<8x1024xf32, #tpu.memory_space<vmem>>, vector<8x128xf32>,
    %swap3A_98 = arith.constant 0 : index
    %swap3A_99 = arith.constant 256 : index
    %swap3A_100 = vector.load %arg7[%swap3A_98, %swap3A_99] : memref<8x1024xf32, #tpu.memory_space<vmem>>, vector<8x128xf32>
    tpu.vector_store %arg7[%swap3A_98, %swap3A_99], %scan3A_87#6 {strides = array<i32>} : memref<8x1024xf32, #tpu.memory_space<vmem>>, vector<8x128xf32>,
    %scan3A_101 = arith.constant 384 : i32
    %scan3A_102 = arith.constant 384 : i32
    %scan3A_103 = arith.constant 128 : i32
    %scan3A_104 = arith.addi %scan3A_102, %scan3A_103 : i32
    %scan3A_105 = arith.constant 1 : i32
    %scan3A_106:7 = scf.for %scan3A_196 = %scan3A_102 to %scan3A_104 step %scan3A_105 iter_args(%scan3A_197 = %scan3A_87#0, %scan3A_198 = %scan3A_87#1, %scan3A_199 = %scan3A_87#2, %scan3A_200 = %broadcast_in_dim3A_30, %scan3A_201 = %broadcast_in_dim3A_28, %scan3A_202 = %broadcast_in_dim3A_28, %scan3A_203 = %broadcast_in_dim3A_28) -> (vector<8x1xf32>, vector<8x1xf32>, vector<8x1xf32>, vector<8x128xi32>, vector<8x128xf32>, vector<8x128xf32>, vector<8x128xf32>)  : i32 {
      %sub3A = vector.broadcast %scan3A_197 : vector<8x1xf32> to vector<8x4096xf32>
      %sub3A_204 = arith.subf %get3A_1, %sub3A : vector<8x4096xf32>
      %sub3A_205 = vector.broadcast %scan3A_198 : vector<8x1xf32> to vector<8x4096xf32>
      %sub3A_206 = arith.subf %get3A_4, %sub3A_205 : vector<8x4096xf32>
      %sub3A_207 = vector.broadcast %scan3A_199 : vector<8x1xf32> to vector<8x4096xf32>
      %sub3A_208 = arith.subf %get3A_7, %sub3A_207 : vector<8x4096xf32>
      %mul3A = arith.mulf %sub3A_204, %sub3A_204 : vector<8x4096xf32>
      %mul3A_209 = arith.mulf %sub3A_206, %sub3A_206 : vector<8x4096xf32>
      %add3A = arith.addf %mul3A, %mul3A_209 : vector<8x4096xf32>
      %mul3A_210 = arith.mulf %sub3A_208, %sub3A_208 : vector<8x4096xf32>
      %add3A_211 = arith.addf %add3A, %mul3A_210 : vector<8x4096xf32>
      %add3A_212 = arith.constant 9.99999996E-13 : f32
      %add3A_213 = vector.broadcast %add3A_212 : f32 to vector<8x4096xf32>
      %add3A_214 = arith.addf %add3A_211, %add3A_213 : vector<8x4096xf32>
      %sqrt3A = math.sqrt %add3A_214 : vector<8x4096xf32>
      %reduce_max3A = arith.constant dense<0xFF800000> : vector<8xf32>
      %reduce_max3A_215 = vector.multi_reduction <maximumf>, %sqrt3A, %reduce_max3A [1] : vector<8x4096xf32> to vector<8xf32>
      %broadcast_in_dim3A_216 = vector.shape_cast %reduce_max3A_215 : vector<8xf32> to vector<8x1xf32>
      %eq3A_217 = vector.broadcast %broadcast_in_dim3A_216 : vector<8x1xf32> to vector<8x4096xf32>
      %eq3A_218 = arith.cmpf oeq, %sqrt3A, %eq3A_217 : vector<8x4096xf32>
      %jit3A_219 = arith.constant 4096 : i32
      %broadcast_in_dim3A_220 = vector.broadcast %jit3A_219 : i32 to vector<8x4096xi32>
      %select_n3A_221 = arith.select %eq3A_218, %iota3A, %broadcast_in_dim3A_220 : vector<8x4096xi1>, vector<8x4096xi32>
      %reduce_min3A = arith.constant dense<2147483647> : vector<8xi32>
      %reduce_min3A_222 = vector.multi_reduction <minsi>, %select_n3A_221, %reduce_min3A [1] : vector<8x4096xi32> to vector<8xi32>
      %broadcast_in_dim3A_223 = vector.shape_cast %reduce_min3A_222 : vector<8xi32> to vector<8x1xi32>
      %eq3A_224 = vector.broadcast %broadcast_in_dim3A_223 : vector<8x1xi32> to vector<8x4096xi32>
      %eq3A_225 = arith.cmpi eq, %iota3A, %eq3A_224 : vector<8x4096xi32>
      %jit3A_226 = arith.constant 0.000000e+00 : f32
      %broadcast_in_dim3A_227 = vector.broadcast %jit3A_226 : f32 to vector<8x4096xf32>
      %select_n3A_228 = arith.select %eq3A_225, %get3A_1, %broadcast_in_dim3A_227 : vector<8x4096xi1>, vector<8x4096xf32>
      %reduce_sum3A_229 = arith.constant dense<0.000000e+00> : vector<8xf32>
      %reduce_sum3A_230 = vector.multi_reduction <add>, %select_n3A_228, %reduce_sum3A_229 [1] : vector<8x4096xf32> to vector<8xf32>
      %broadcast_in_dim3A_231 = vector.shape_cast %reduce_sum3A_230 : vector<8xf32> to vector<8x1xf32>
      %jit3A_232 = arith.constant 0.000000e+00 : f32
      %broadcast_in_dim3A_233 = vector.broadcast %jit3A_232 : f32 to vector<8x4096xf32>
      %select_n3A_234 = arith.select %eq3A_225, %get3A_4, %broadcast_in_dim3A_233 : vector<8x4096xi1>, vector<8x4096xf32>
      %reduce_sum3A_235 = arith.constant dense<0.000000e+00> : vector<8xf32>
      %reduce_sum3A_236 = vector.multi_reduction <add>, %select_n3A_234, %reduce_sum3A_235 [1] : vector<8x4096xf32> to vector<8xf32>
      %broadcast_in_dim3A_237 = vector.shape_cast %reduce_sum3A_236 : vector<8xf32> to vector<8x1xf32>
      %jit3A_238 = arith.constant 0.000000e+00 : f32
      %broadcast_in_dim3A_239 = vector.broadcast %jit3A_238 : f32 to vector<8x4096xf32>
      %select_n3A_240 = arith.select %eq3A_225, %get3A_7, %broadcast_in_dim3A_239 : vector<8x4096xi1>, vector<8x4096xf32>
      %reduce_sum3A_241 = arith.constant dense<0.000000e+00> : vector<8xf32>
      %reduce_sum3A_242 = vector.multi_reduction <add>, %select_n3A_240, %reduce_sum3A_241 [1] : vector<8x4096xf32> to vector<8xf32>
      %broadcast_in_dim3A_243 = vector.shape_cast %reduce_sum3A_242 : vector<8xf32> to vector<8x1xf32>
      %sub3A_244 = arith.subi %scan3A_196, %scan3A_101 : i32
      %eq3A_245 = vector.broadcast %sub3A_244 : i32 to vector<8x128xi32>
      %eq3A_246 = arith.cmpi eq, %iota3A_26, %eq3A_245 : vector<8x128xi32>
      %broadcast_in_dim3A_247 = vector.shape_cast %broadcast_in_dim3A_223 : vector<8x1xi32> to vector<8x1xi32>
      %broadcast_in_dim3A_248 = vector.broadcast %broadcast_in_dim3A_247 : vector<8x1xi32> to vector<8x128xi32>
      %select_n3A_249 = arith.select %eq3A_246, %broadcast_in_dim3A_248, %scan3A_200 : vector<8x128xi1>, vector<8x128xi32>
      %broadcast_in_dim3A_250 = vector.shape_cast %broadcast_in_dim3A_231 : vector<8x1xf32> to vector<8x1xf32>
      %broadcast_in_dim3A_251 = vector.broadcast %broadcast_in_dim3A_250 : vector<8x1xf32> to vector<8x128xf32>
      %select_n3A_252 = arith.select %eq3A_246, %broadcast_in_dim3A_251, %scan3A_201 : vector<8x128xi1>, vector<8x128xf32>
      %broadcast_in_dim3A_253 = vector.shape_cast %broadcast_in_dim3A_237 : vector<8x1xf32> to vector<8x1xf32>
      %broadcast_in_dim3A_254 = vector.broadcast %broadcast_in_dim3A_253 : vector<8x1xf32> to vector<8x128xf32>
      %select_n3A_255 = arith.select %eq3A_246, %broadcast_in_dim3A_254, %scan3A_202 : vector<8x128xi1>, vector<8x128xf32>
      %broadcast_in_dim3A_256 = vector.shape_cast %broadcast_in_dim3A_243 : vector<8x1xf32> to vector<8x1xf32>
      %broadcast_in_dim3A_257 = vector.broadcast %broadcast_in_dim3A_256 : vector<8x1xf32> to vector<8x128xf32>
      %select_n3A_258 = arith.select %eq3A_246, %broadcast_in_dim3A_257, %scan3A_203 : vector<8x128xi1>, vector<8x128xf32>
      scf.yield %broadcast_in_dim3A_231, %broadcast_in_dim3A_237, %broadcast_in_dim3A_243, %select_n3A_249, %select_n3A_252, %select_n3A_255, %select_n3A_258 : vector<8x1xf32>, vector<8x1xf32>, vector<8x1xf32>, vector<8x128xi32>, vector<8x128xf32>, vector<8x128xf32>, vector<8x128xf32>
    }
    %scan3A_107 = arith.constant 128 : i32
    %swap3A_108 = arith.constant 0 : index
    %swap3A_109 = arith.constant 384 : index
    %swap3A_110 = vector.load %arg4[%swap3A_108, %swap3A_109] : memref<8x1024xi32, #tpu.memory_space<vmem>>, vector<8x128xi32>
    tpu.vector_store %arg4[%swap3A_108, %swap3A_109], %scan3A_106#3 {strides = array<i32>} : memref<8x1024xi32, #tpu.memory_space<vmem>>, vector<8x128xi32>,
    %swap3A_111 = arith.constant 0 : index
    %swap3A_112 = arith.constant 384 : index
    %swap3A_113 = vector.load %arg5[%swap3A_111, %swap3A_112] : memref<8x1024xf32, #tpu.memory_space<vmem>>, vector<8x128xf32>
    tpu.vector_store %arg5[%swap3A_111, %swap3A_112], %scan3A_106#4 {strides = array<i32>} : memref<8x1024xf32, #tpu.memory_space<vmem>>, vector<8x128xf32>,
    %swap3A_114 = arith.constant 0 : index
    %swap3A_115 = arith.constant 384 : index
    %swap3A_116 = vector.load %arg6[%swap3A_114, %swap3A_115] : memref<8x1024xf32, #tpu.memory_space<vmem>>, vector<8x128xf32>
    tpu.vector_store %arg6[%swap3A_114, %swap3A_115], %scan3A_106#5 {strides = array<i32>} : memref<8x1024xf32, #tpu.memory_space<vmem>>, vector<8x128xf32>,
    %swap3A_117 = arith.constant 0 : index
    %swap3A_118 = arith.constant 384 : index
    %swap3A_119 = vector.load %arg7[%swap3A_117, %swap3A_118] : memref<8x1024xf32, #tpu.memory_space<vmem>>, vector<8x128xf32>
    tpu.vector_store %arg7[%swap3A_117, %swap3A_118], %scan3A_106#6 {strides = array<i32>} : memref<8x1024xf32, #tpu.memory_space<vmem>>, vector<8x128xf32>,
    %scan3A_120 = arith.constant 512 : i32
    %scan3A_121 = arith.constant 512 : i32
    %scan3A_122 = arith.constant 128 : i32
    %scan3A_123 = arith.addi %scan3A_121, %scan3A_122 : i32
    %scan3A_124 = arith.constant 1 : i32
    %scan3A_125:7 = scf.for %scan3A_196 = %scan3A_121 to %scan3A_123 step %scan3A_124 iter_args(%scan3A_197 = %scan3A_106#0, %scan3A_198 = %scan3A_106#1, %scan3A_199 = %scan3A_106#2, %scan3A_200 = %broadcast_in_dim3A_30, %scan3A_201 = %broadcast_in_dim3A_28, %scan3A_202 = %broadcast_in_dim3A_28, %scan3A_203 = %broadcast_in_dim3A_28) -> (vector<8x1xf32>, vector<8x1xf32>, vector<8x1xf32>, vector<8x128xi32>, vector<8x128xf32>, vector<8x128xf32>, vector<8x128xf32>)  : i32 {
      %sub3A = vector.broadcast %scan3A_197 : vector<8x1xf32> to vector<8x4096xf32>
      %sub3A_204 = arith.subf %get3A_1, %sub3A : vector<8x4096xf32>
      %sub3A_205 = vector.broadcast %scan3A_198 : vector<8x1xf32> to vector<8x4096xf32>
      %sub3A_206 = arith.subf %get3A_4, %sub3A_205 : vector<8x4096xf32>
      %sub3A_207 = vector.broadcast %scan3A_199 : vector<8x1xf32> to vector<8x4096xf32>
      %sub3A_208 = arith.subf %get3A_7, %sub3A_207 : vector<8x4096xf32>
      %mul3A = arith.mulf %sub3A_204, %sub3A_204 : vector<8x4096xf32>
      %mul3A_209 = arith.mulf %sub3A_206, %sub3A_206 : vector<8x4096xf32>
      %add3A = arith.addf %mul3A, %mul3A_209 : vector<8x4096xf32>
      %mul3A_210 = arith.mulf %sub3A_208, %sub3A_208 : vector<8x4096xf32>
      %add3A_211 = arith.addf %add3A, %mul3A_210 : vector<8x4096xf32>
      %add3A_212 = arith.constant 9.99999996E-13 : f32
      %add3A_213 = vector.broadcast %add3A_212 : f32 to vector<8x4096xf32>
      %add3A_214 = arith.addf %add3A_211, %add3A_213 : vector<8x4096xf32>
      %sqrt3A = math.sqrt %add3A_214 : vector<8x4096xf32>
      %reduce_max3A = arith.constant dense<0xFF800000> : vector<8xf32>
      %reduce_max3A_215 = vector.multi_reduction <maximumf>, %sqrt3A, %reduce_max3A [1] : vector<8x4096xf32> to vector<8xf32>
      %broadcast_in_dim3A_216 = vector.shape_cast %reduce_max3A_215 : vector<8xf32> to vector<8x1xf32>
      %eq3A_217 = vector.broadcast %broadcast_in_dim3A_216 : vector<8x1xf32> to vector<8x4096xf32>
      %eq3A_218 = arith.cmpf oeq, %sqrt3A, %eq3A_217 : vector<8x4096xf32>
      %jit3A_219 = arith.constant 4096 : i32
      %broadcast_in_dim3A_220 = vector.broadcast %jit3A_219 : i32 to vector<8x4096xi32>
      %select_n3A_221 = arith.select %eq3A_218, %iota3A, %broadcast_in_dim3A_220 : vector<8x4096xi1>, vector<8x4096xi32>
      %reduce_min3A = arith.constant dense<2147483647> : vector<8xi32>
      %reduce_min3A_222 = vector.multi_reduction <minsi>, %select_n3A_221, %reduce_min3A [1] : vector<8x4096xi32> to vector<8xi32>
      %broadcast_in_dim3A_223 = vector.shape_cast %reduce_min3A_222 : vector<8xi32> to vector<8x1xi32>
      %eq3A_224 = vector.broadcast %broadcast_in_dim3A_223 : vector<8x1xi32> to vector<8x4096xi32>
      %eq3A_225 = arith.cmpi eq, %iota3A, %eq3A_224 : vector<8x4096xi32>
      %jit3A_226 = arith.constant 0.000000e+00 : f32
      %broadcast_in_dim3A_227 = vector.broadcast %jit3A_226 : f32 to vector<8x4096xf32>
      %select_n3A_228 = arith.select %eq3A_225, %get3A_1, %broadcast_in_dim3A_227 : vector<8x4096xi1>, vector<8x4096xf32>
      %reduce_sum3A_229 = arith.constant dense<0.000000e+00> : vector<8xf32>
      %reduce_sum3A_230 = vector.multi_reduction <add>, %select_n3A_228, %reduce_sum3A_229 [1] : vector<8x4096xf32> to vector<8xf32>
      %broadcast_in_dim3A_231 = vector.shape_cast %reduce_sum3A_230 : vector<8xf32> to vector<8x1xf32>
      %jit3A_232 = arith.constant 0.000000e+00 : f32
      %broadcast_in_dim3A_233 = vector.broadcast %jit3A_232 : f32 to vector<8x4096xf32>
      %select_n3A_234 = arith.select %eq3A_225, %get3A_4, %broadcast_in_dim3A_233 : vector<8x4096xi1>, vector<8x4096xf32>
      %reduce_sum3A_235 = arith.constant dense<0.000000e+00> : vector<8xf32>
      %reduce_sum3A_236 = vector.multi_reduction <add>, %select_n3A_234, %reduce_sum3A_235 [1] : vector<8x4096xf32> to vector<8xf32>
      %broadcast_in_dim3A_237 = vector.shape_cast %reduce_sum3A_236 : vector<8xf32> to vector<8x1xf32>
      %jit3A_238 = arith.constant 0.000000e+00 : f32
      %broadcast_in_dim3A_239 = vector.broadcast %jit3A_238 : f32 to vector<8x4096xf32>
      %select_n3A_240 = arith.select %eq3A_225, %get3A_7, %broadcast_in_dim3A_239 : vector<8x4096xi1>, vector<8x4096xf32>
      %reduce_sum3A_241 = arith.constant dense<0.000000e+00> : vector<8xf32>
      %reduce_sum3A_242 = vector.multi_reduction <add>, %select_n3A_240, %reduce_sum3A_241 [1] : vector<8x4096xf32> to vector<8xf32>
      %broadcast_in_dim3A_243 = vector.shape_cast %reduce_sum3A_242 : vector<8xf32> to vector<8x1xf32>
      %sub3A_244 = arith.subi %scan3A_196, %scan3A_120 : i32
      %eq3A_245 = vector.broadcast %sub3A_244 : i32 to vector<8x128xi32>
      %eq3A_246 = arith.cmpi eq, %iota3A_26, %eq3A_245 : vector<8x128xi32>
      %broadcast_in_dim3A_247 = vector.shape_cast %broadcast_in_dim3A_223 : vector<8x1xi32> to vector<8x1xi32>
      %broadcast_in_dim3A_248 = vector.broadcast %broadcast_in_dim3A_247 : vector<8x1xi32> to vector<8x128xi32>
      %select_n3A_249 = arith.select %eq3A_246, %broadcast_in_dim3A_248, %scan3A_200 : vector<8x128xi1>, vector<8x128xi32>
      %broadcast_in_dim3A_250 = vector.shape_cast %broadcast_in_dim3A_231 : vector<8x1xf32> to vector<8x1xf32>
      %broadcast_in_dim3A_251 = vector.broadcast %broadcast_in_dim3A_250 : vector<8x1xf32> to vector<8x128xf32>
      %select_n3A_252 = arith.select %eq3A_246, %broadcast_in_dim3A_251, %scan3A_201 : vector<8x128xi1>, vector<8x128xf32>
      %broadcast_in_dim3A_253 = vector.shape_cast %broadcast_in_dim3A_237 : vector<8x1xf32> to vector<8x1xf32>
      %broadcast_in_dim3A_254 = vector.broadcast %broadcast_in_dim3A_253 : vector<8x1xf32> to vector<8x128xf32>
      %select_n3A_255 = arith.select %eq3A_246, %broadcast_in_dim3A_254, %scan3A_202 : vector<8x128xi1>, vector<8x128xf32>
      %broadcast_in_dim3A_256 = vector.shape_cast %broadcast_in_dim3A_243 : vector<8x1xf32> to vector<8x1xf32>
      %broadcast_in_dim3A_257 = vector.broadcast %broadcast_in_dim3A_256 : vector<8x1xf32> to vector<8x128xf32>
      %select_n3A_258 = arith.select %eq3A_246, %broadcast_in_dim3A_257, %scan3A_203 : vector<8x128xi1>, vector<8x128xf32>
      scf.yield %broadcast_in_dim3A_231, %broadcast_in_dim3A_237, %broadcast_in_dim3A_243, %select_n3A_249, %select_n3A_252, %select_n3A_255, %select_n3A_258 : vector<8x1xf32>, vector<8x1xf32>, vector<8x1xf32>, vector<8x128xi32>, vector<8x128xf32>, vector<8x128xf32>, vector<8x128xf32>
    }
    %scan3A_126 = arith.constant 128 : i32
    %swap3A_127 = arith.constant 0 : index
    %swap3A_128 = arith.constant 512 : index
    %swap3A_129 = vector.load %arg4[%swap3A_127, %swap3A_128] : memref<8x1024xi32, #tpu.memory_space<vmem>>, vector<8x128xi32>
    tpu.vector_store %arg4[%swap3A_127, %swap3A_128], %scan3A_125#3 {strides = array<i32>} : memref<8x1024xi32, #tpu.memory_space<vmem>>, vector<8x128xi32>,
    %swap3A_130 = arith.constant 0 : index
    %swap3A_131 = arith.constant 512 : index
    %swap3A_132 = vector.load %arg5[%swap3A_130, %swap3A_131] : memref<8x1024xf32, #tpu.memory_space<vmem>>, vector<8x128xf32>
    tpu.vector_store %arg5[%swap3A_130, %swap3A_131], %scan3A_125#4 {strides = array<i32>} : memref<8x1024xf32, #tpu.memory_space<vmem>>, vector<8x128xf32>,
    %swap3A_133 = arith.constant 0 : index
    %swap3A_134 = arith.constant 512 : index
    %swap3A_135 = vector.load %arg6[%swap3A_133, %swap3A_134] : memref<8x1024xf32, #tpu.memory_space<vmem>>, vector<8x128xf32>
    tpu.vector_store %arg6[%swap3A_133, %swap3A_134], %scan3A_125#5 {strides = array<i32>} : memref<8x1024xf32, #tpu.memory_space<vmem>>, vector<8x128xf32>,
    %swap3A_136 = arith.constant 0 : index
    %swap3A_137 = arith.constant 512 : index
    %swap3A_138 = vector.load %arg7[%swap3A_136, %swap3A_137] : memref<8x1024xf32, #tpu.memory_space<vmem>>, vector<8x128xf32>
    tpu.vector_store %arg7[%swap3A_136, %swap3A_137], %scan3A_125#6 {strides = array<i32>} : memref<8x1024xf32, #tpu.memory_space<vmem>>, vector<8x128xf32>,
    %scan3A_139 = arith.constant 640 : i32
    %scan3A_140 = arith.constant 640 : i32
    %scan3A_141 = arith.constant 128 : i32
    %scan3A_142 = arith.addi %scan3A_140, %scan3A_141 : i32
    %scan3A_143 = arith.constant 1 : i32
    %scan3A_144:7 = scf.for %scan3A_196 = %scan3A_140 to %scan3A_142 step %scan3A_143 iter_args(%scan3A_197 = %scan3A_125#0, %scan3A_198 = %scan3A_125#1, %scan3A_199 = %scan3A_125#2, %scan3A_200 = %broadcast_in_dim3A_30, %scan3A_201 = %broadcast_in_dim3A_28, %scan3A_202 = %broadcast_in_dim3A_28, %scan3A_203 = %broadcast_in_dim3A_28) -> (vector<8x1xf32>, vector<8x1xf32>, vector<8x1xf32>, vector<8x128xi32>, vector<8x128xf32>, vector<8x128xf32>, vector<8x128xf32>)  : i32 {
      %sub3A = vector.broadcast %scan3A_197 : vector<8x1xf32> to vector<8x4096xf32>
      %sub3A_204 = arith.subf %get3A_1, %sub3A : vector<8x4096xf32>
      %sub3A_205 = vector.broadcast %scan3A_198 : vector<8x1xf32> to vector<8x4096xf32>
      %sub3A_206 = arith.subf %get3A_4, %sub3A_205 : vector<8x4096xf32>
      %sub3A_207 = vector.broadcast %scan3A_199 : vector<8x1xf32> to vector<8x4096xf32>
      %sub3A_208 = arith.subf %get3A_7, %sub3A_207 : vector<8x4096xf32>
      %mul3A = arith.mulf %sub3A_204, %sub3A_204 : vector<8x4096xf32>
      %mul3A_209 = arith.mulf %sub3A_206, %sub3A_206 : vector<8x4096xf32>
      %add3A = arith.addf %mul3A, %mul3A_209 : vector<8x4096xf32>
      %mul3A_210 = arith.mulf %sub3A_208, %sub3A_208 : vector<8x4096xf32>
      %add3A_211 = arith.addf %add3A, %mul3A_210 : vector<8x4096xf32>
      %add3A_212 = arith.constant 9.99999996E-13 : f32
      %add3A_213 = vector.broadcast %add3A_212 : f32 to vector<8x4096xf32>
      %add3A_214 = arith.addf %add3A_211, %add3A_213 : vector<8x4096xf32>
      %sqrt3A = math.sqrt %add3A_214 : vector<8x4096xf32>
      %reduce_max3A = arith.constant dense<0xFF800000> : vector<8xf32>
      %reduce_max3A_215 = vector.multi_reduction <maximumf>, %sqrt3A, %reduce_max3A [1] : vector<8x4096xf32> to vector<8xf32>
      %broadcast_in_dim3A_216 = vector.shape_cast %reduce_max3A_215 : vector<8xf32> to vector<8x1xf32>
      %eq3A_217 = vector.broadcast %broadcast_in_dim3A_216 : vector<8x1xf32> to vector<8x4096xf32>
      %eq3A_218 = arith.cmpf oeq, %sqrt3A, %eq3A_217 : vector<8x4096xf32>
      %jit3A_219 = arith.constant 4096 : i32
      %broadcast_in_dim3A_220 = vector.broadcast %jit3A_219 : i32 to vector<8x4096xi32>
      %select_n3A_221 = arith.select %eq3A_218, %iota3A, %broadcast_in_dim3A_220 : vector<8x4096xi1>, vector<8x4096xi32>
      %reduce_min3A = arith.constant dense<2147483647> : vector<8xi32>
      %reduce_min3A_222 = vector.multi_reduction <minsi>, %select_n3A_221, %reduce_min3A [1] : vector<8x4096xi32> to vector<8xi32>
      %broadcast_in_dim3A_223 = vector.shape_cast %reduce_min3A_222 : vector<8xi32> to vector<8x1xi32>
      %eq3A_224 = vector.broadcast %broadcast_in_dim3A_223 : vector<8x1xi32> to vector<8x4096xi32>
      %eq3A_225 = arith.cmpi eq, %iota3A, %eq3A_224 : vector<8x4096xi32>
      %jit3A_226 = arith.constant 0.000000e+00 : f32
      %broadcast_in_dim3A_227 = vector.broadcast %jit3A_226 : f32 to vector<8x4096xf32>
      %select_n3A_228 = arith.select %eq3A_225, %get3A_1, %broadcast_in_dim3A_227 : vector<8x4096xi1>, vector<8x4096xf32>
      %reduce_sum3A_229 = arith.constant dense<0.000000e+00> : vector<8xf32>
      %reduce_sum3A_230 = vector.multi_reduction <add>, %select_n3A_228, %reduce_sum3A_229 [1] : vector<8x4096xf32> to vector<8xf32>
      %broadcast_in_dim3A_231 = vector.shape_cast %reduce_sum3A_230 : vector<8xf32> to vector<8x1xf32>
      %jit3A_232 = arith.constant 0.000000e+00 : f32
      %broadcast_in_dim3A_233 = vector.broadcast %jit3A_232 : f32 to vector<8x4096xf32>
      %select_n3A_234 = arith.select %eq3A_225, %get3A_4, %broadcast_in_dim3A_233 : vector<8x4096xi1>, vector<8x4096xf32>
      %reduce_sum3A_235 = arith.constant dense<0.000000e+00> : vector<8xf32>
      %reduce_sum3A_236 = vector.multi_reduction <add>, %select_n3A_234, %reduce_sum3A_235 [1] : vector<8x4096xf32> to vector<8xf32>
      %broadcast_in_dim3A_237 = vector.shape_cast %reduce_sum3A_236 : vector<8xf32> to vector<8x1xf32>
      %jit3A_238 = arith.constant 0.000000e+00 : f32
      %broadcast_in_dim3A_239 = vector.broadcast %jit3A_238 : f32 to vector<8x4096xf32>
      %select_n3A_240 = arith.select %eq3A_225, %get3A_7, %broadcast_in_dim3A_239 : vector<8x4096xi1>, vector<8x4096xf32>
      %reduce_sum3A_241 = arith.constant dense<0.000000e+00> : vector<8xf32>
      %reduce_sum3A_242 = vector.multi_reduction <add>, %select_n3A_240, %reduce_sum3A_241 [1] : vector<8x4096xf32> to vector<8xf32>
      %broadcast_in_dim3A_243 = vector.shape_cast %reduce_sum3A_242 : vector<8xf32> to vector<8x1xf32>
      %sub3A_244 = arith.subi %scan3A_196, %scan3A_139 : i32
      %eq3A_245 = vector.broadcast %sub3A_244 : i32 to vector<8x128xi32>
      %eq3A_246 = arith.cmpi eq, %iota3A_26, %eq3A_245 : vector<8x128xi32>
      %broadcast_in_dim3A_247 = vector.shape_cast %broadcast_in_dim3A_223 : vector<8x1xi32> to vector<8x1xi32>
      %broadcast_in_dim3A_248 = vector.broadcast %broadcast_in_dim3A_247 : vector<8x1xi32> to vector<8x128xi32>
      %select_n3A_249 = arith.select %eq3A_246, %broadcast_in_dim3A_248, %scan3A_200 : vector<8x128xi1>, vector<8x128xi32>
      %broadcast_in_dim3A_250 = vector.shape_cast %broadcast_in_dim3A_231 : vector<8x1xf32> to vector<8x1xf32>
      %broadcast_in_dim3A_251 = vector.broadcast %broadcast_in_dim3A_250 : vector<8x1xf32> to vector<8x128xf32>
      %select_n3A_252 = arith.select %eq3A_246, %broadcast_in_dim3A_251, %scan3A_201 : vector<8x128xi1>, vector<8x128xf32>
      %broadcast_in_dim3A_253 = vector.shape_cast %broadcast_in_dim3A_237 : vector<8x1xf32> to vector<8x1xf32>
      %broadcast_in_dim3A_254 = vector.broadcast %broadcast_in_dim3A_253 : vector<8x1xf32> to vector<8x128xf32>
      %select_n3A_255 = arith.select %eq3A_246, %broadcast_in_dim3A_254, %scan3A_202 : vector<8x128xi1>, vector<8x128xf32>
      %broadcast_in_dim3A_256 = vector.shape_cast %broadcast_in_dim3A_243 : vector<8x1xf32> to vector<8x1xf32>
      %broadcast_in_dim3A_257 = vector.broadcast %broadcast_in_dim3A_256 : vector<8x1xf32> to vector<8x128xf32>
      %select_n3A_258 = arith.select %eq3A_246, %broadcast_in_dim3A_257, %scan3A_203 : vector<8x128xi1>, vector<8x128xf32>
      scf.yield %broadcast_in_dim3A_231, %broadcast_in_dim3A_237, %broadcast_in_dim3A_243, %select_n3A_249, %select_n3A_252, %select_n3A_255, %select_n3A_258 : vector<8x1xf32>, vector<8x1xf32>, vector<8x1xf32>, vector<8x128xi32>, vector<8x128xf32>, vector<8x128xf32>, vector<8x128xf32>
    }
    %scan3A_145 = arith.constant 128 : i32
    %swap3A_146 = arith.constant 0 : index
    %swap3A_147 = arith.constant 640 : index
    %swap3A_148 = vector.load %arg4[%swap3A_146, %swap3A_147] : memref<8x1024xi32, #tpu.memory_space<vmem>>, vector<8x128xi32>
    tpu.vector_store %arg4[%swap3A_146, %swap3A_147], %scan3A_144#3 {strides = array<i32>} : memref<8x1024xi32, #tpu.memory_space<vmem>>, vector<8x128xi32>,
    %swap3A_149 = arith.constant 0 : index
    %swap3A_150 = arith.constant 640 : index
    %swap3A_151 = vector.load %arg5[%swap3A_149, %swap3A_150] : memref<8x1024xf32, #tpu.memory_space<vmem>>, vector<8x128xf32>
    tpu.vector_store %arg5[%swap3A_149, %swap3A_150], %scan3A_144#4 {strides = array<i32>} : memref<8x1024xf32, #tpu.memory_space<vmem>>, vector<8x128xf32>,
    %swap3A_152 = arith.constant 0 : index
    %swap3A_153 = arith.constant 640 : index
    %swap3A_154 = vector.load %arg6[%swap3A_152, %swap3A_153] : memref<8x1024xf32, #tpu.memory_space<vmem>>, vector<8x128xf32>
    tpu.vector_store %arg6[%swap3A_152, %swap3A_153], %scan3A_144#5 {strides = array<i32>} : memref<8x1024xf32, #tpu.memory_space<vmem>>, vector<8x128xf32>,
    %swap3A_155 = arith.constant 0 : index
    %swap3A_156 = arith.constant 640 : index
    %swap3A_157 = vector.load %arg7[%swap3A_155, %swap3A_156] : memref<8x1024xf32, #tpu.memory_space<vmem>>, vector<8x128xf32>
    tpu.vector_store %arg7[%swap3A_155, %swap3A_156], %scan3A_144#6 {strides = array<i32>} : memref<8x1024xf32, #tpu.memory_space<vmem>>, vector<8x128xf32>,
    %scan3A_158 = arith.constant 768 : i32
    %scan3A_159 = arith.constant 768 : i32
    %scan3A_160 = arith.constant 128 : i32
    %scan3A_161 = arith.addi %scan3A_159, %scan3A_160 : i32
    %scan3A_162 = arith.constant 1 : i32
    %scan3A_163:7 = scf.for %scan3A_196 = %scan3A_159 to %scan3A_161 step %scan3A_162 iter_args(%scan3A_197 = %scan3A_144#0, %scan3A_198 = %scan3A_144#1, %scan3A_199 = %scan3A_144#2, %scan3A_200 = %broadcast_in_dim3A_30, %scan3A_201 = %broadcast_in_dim3A_28, %scan3A_202 = %broadcast_in_dim3A_28, %scan3A_203 = %broadcast_in_dim3A_28) -> (vector<8x1xf32>, vector<8x1xf32>, vector<8x1xf32>, vector<8x128xi32>, vector<8x128xf32>, vector<8x128xf32>, vector<8x128xf32>)  : i32 {
      %sub3A = vector.broadcast %scan3A_197 : vector<8x1xf32> to vector<8x4096xf32>
      %sub3A_204 = arith.subf %get3A_1, %sub3A : vector<8x4096xf32>
      %sub3A_205 = vector.broadcast %scan3A_198 : vector<8x1xf32> to vector<8x4096xf32>
      %sub3A_206 = arith.subf %get3A_4, %sub3A_205 : vector<8x4096xf32>
      %sub3A_207 = vector.broadcast %scan3A_199 : vector<8x1xf32> to vector<8x4096xf32>
      %sub3A_208 = arith.subf %get3A_7, %sub3A_207 : vector<8x4096xf32>
      %mul3A = arith.mulf %sub3A_204, %sub3A_204 : vector<8x4096xf32>
      %mul3A_209 = arith.mulf %sub3A_206, %sub3A_206 : vector<8x4096xf32>
      %add3A = arith.addf %mul3A, %mul3A_209 : vector<8x4096xf32>
      %mul3A_210 = arith.mulf %sub3A_208, %sub3A_208 : vector<8x4096xf32>
      %add3A_211 = arith.addf %add3A, %mul3A_210 : vector<8x4096xf32>
      %add3A_212 = arith.constant 9.99999996E-13 : f32
      %add3A_213 = vector.broadcast %add3A_212 : f32 to vector<8x4096xf32>
      %add3A_214 = arith.addf %add3A_211, %add3A_213 : vector<8x4096xf32>
      %sqrt3A = math.sqrt %add3A_214 : vector<8x4096xf32>
      %reduce_max3A = arith.constant dense<0xFF800000> : vector<8xf32>
      %reduce_max3A_215 = vector.multi_reduction <maximumf>, %sqrt3A, %reduce_max3A [1] : vector<8x4096xf32> to vector<8xf32>
      %broadcast_in_dim3A_216 = vector.shape_cast %reduce_max3A_215 : vector<8xf32> to vector<8x1xf32>
      %eq3A_217 = vector.broadcast %broadcast_in_dim3A_216 : vector<8x1xf32> to vector<8x4096xf32>
      %eq3A_218 = arith.cmpf oeq, %sqrt3A, %eq3A_217 : vector<8x4096xf32>
      %jit3A_219 = arith.constant 4096 : i32
      %broadcast_in_dim3A_220 = vector.broadcast %jit3A_219 : i32 to vector<8x4096xi32>
      %select_n3A_221 = arith.select %eq3A_218, %iota3A, %broadcast_in_dim3A_220 : vector<8x4096xi1>, vector<8x4096xi32>
      %reduce_min3A = arith.constant dense<2147483647> : vector<8xi32>
      %reduce_min3A_222 = vector.multi_reduction <minsi>, %select_n3A_221, %reduce_min3A [1] : vector<8x4096xi32> to vector<8xi32>
      %broadcast_in_dim3A_223 = vector.shape_cast %reduce_min3A_222 : vector<8xi32> to vector<8x1xi32>
      %eq3A_224 = vector.broadcast %broadcast_in_dim3A_223 : vector<8x1xi32> to vector<8x4096xi32>
      %eq3A_225 = arith.cmpi eq, %iota3A, %eq3A_224 : vector<8x4096xi32>
      %jit3A_226 = arith.constant 0.000000e+00 : f32
      %broadcast_in_dim3A_227 = vector.broadcast %jit3A_226 : f32 to vector<8x4096xf32>
      %select_n3A_228 = arith.select %eq3A_225, %get3A_1, %broadcast_in_dim3A_227 : vector<8x4096xi1>, vector<8x4096xf32>
      %reduce_sum3A_229 = arith.constant dense<0.000000e+00> : vector<8xf32>
      %reduce_sum3A_230 = vector.multi_reduction <add>, %select_n3A_228, %reduce_sum3A_229 [1] : vector<8x4096xf32> to vector<8xf32>
      %broadcast_in_dim3A_231 = vector.shape_cast %reduce_sum3A_230 : vector<8xf32> to vector<8x1xf32>
      %jit3A_232 = arith.constant 0.000000e+00 : f32
      %broadcast_in_dim3A_233 = vector.broadcast %jit3A_232 : f32 to vector<8x4096xf32>
      %select_n3A_234 = arith.select %eq3A_225, %get3A_4, %broadcast_in_dim3A_233 : vector<8x4096xi1>, vector<8x4096xf32>
      %reduce_sum3A_235 = arith.constant dense<0.000000e+00> : vector<8xf32>
      %reduce_sum3A_236 = vector.multi_reduction <add>, %select_n3A_234, %reduce_sum3A_235 [1] : vector<8x4096xf32> to vector<8xf32>
      %broadcast_in_dim3A_237 = vector.shape_cast %reduce_sum3A_236 : vector<8xf32> to vector<8x1xf32>
      %jit3A_238 = arith.constant 0.000000e+00 : f32
      %broadcast_in_dim3A_239 = vector.broadcast %jit3A_238 : f32 to vector<8x4096xf32>
      %select_n3A_240 = arith.select %eq3A_225, %get3A_7, %broadcast_in_dim3A_239 : vector<8x4096xi1>, vector<8x4096xf32>
      %reduce_sum3A_241 = arith.constant dense<0.000000e+00> : vector<8xf32>
      %reduce_sum3A_242 = vector.multi_reduction <add>, %select_n3A_240, %reduce_sum3A_241 [1] : vector<8x4096xf32> to vector<8xf32>
      %broadcast_in_dim3A_243 = vector.shape_cast %reduce_sum3A_242 : vector<8xf32> to vector<8x1xf32>
      %sub3A_244 = arith.subi %scan3A_196, %scan3A_158 : i32
      %eq3A_245 = vector.broadcast %sub3A_244 : i32 to vector<8x128xi32>
      %eq3A_246 = arith.cmpi eq, %iota3A_26, %eq3A_245 : vector<8x128xi32>
      %broadcast_in_dim3A_247 = vector.shape_cast %broadcast_in_dim3A_223 : vector<8x1xi32> to vector<8x1xi32>
      %broadcast_in_dim3A_248 = vector.broadcast %broadcast_in_dim3A_247 : vector<8x1xi32> to vector<8x128xi32>
      %select_n3A_249 = arith.select %eq3A_246, %broadcast_in_dim3A_248, %scan3A_200 : vector<8x128xi1>, vector<8x128xi32>
      %broadcast_in_dim3A_250 = vector.shape_cast %broadcast_in_dim3A_231 : vector<8x1xf32> to vector<8x1xf32>
      %broadcast_in_dim3A_251 = vector.broadcast %broadcast_in_dim3A_250 : vector<8x1xf32> to vector<8x128xf32>
      %select_n3A_252 = arith.select %eq3A_246, %broadcast_in_dim3A_251, %scan3A_201 : vector<8x128xi1>, vector<8x128xf32>
      %broadcast_in_dim3A_253 = vector.shape_cast %broadcast_in_dim3A_237 : vector<8x1xf32> to vector<8x1xf32>
      %broadcast_in_dim3A_254 = vector.broadcast %broadcast_in_dim3A_253 : vector<8x1xf32> to vector<8x128xf32>
      %select_n3A_255 = arith.select %eq3A_246, %broadcast_in_dim3A_254, %scan3A_202 : vector<8x128xi1>, vector<8x128xf32>
      %broadcast_in_dim3A_256 = vector.shape_cast %broadcast_in_dim3A_243 : vector<8x1xf32> to vector<8x1xf32>
      %broadcast_in_dim3A_257 = vector.broadcast %broadcast_in_dim3A_256 : vector<8x1xf32> to vector<8x128xf32>
      %select_n3A_258 = arith.select %eq3A_246, %broadcast_in_dim3A_257, %scan3A_203 : vector<8x128xi1>, vector<8x128xf32>
      scf.yield %broadcast_in_dim3A_231, %broadcast_in_dim3A_237, %broadcast_in_dim3A_243, %select_n3A_249, %select_n3A_252, %select_n3A_255, %select_n3A_258 : vector<8x1xf32>, vector<8x1xf32>, vector<8x1xf32>, vector<8x128xi32>, vector<8x128xf32>, vector<8x128xf32>, vector<8x128xf32>
    }
    %scan3A_164 = arith.constant 128 : i32
    %swap3A_165 = arith.constant 0 : index
    %swap3A_166 = arith.constant 768 : index
    %swap3A_167 = vector.load %arg4[%swap3A_165, %swap3A_166] : memref<8x1024xi32, #tpu.memory_space<vmem>>, vector<8x128xi32>
    tpu.vector_store %arg4[%swap3A_165, %swap3A_166], %scan3A_163#3 {strides = array<i32>} : memref<8x1024xi32, #tpu.memory_space<vmem>>, vector<8x128xi32>,
    %swap3A_168 = arith.constant 0 : index
    %swap3A_169 = arith.constant 768 : index
    %swap3A_170 = vector.load %arg5[%swap3A_168, %swap3A_169] : memref<8x1024xf32, #tpu.memory_space<vmem>>, vector<8x128xf32>
    tpu.vector_store %arg5[%swap3A_168, %swap3A_169], %scan3A_163#4 {strides = array<i32>} : memref<8x1024xf32, #tpu.memory_space<vmem>>, vector<8x128xf32>,
    %swap3A_171 = arith.constant 0 : index
    %swap3A_172 = arith.constant 768 : index
    %swap3A_173 = vector.load %arg6[%swap3A_171, %swap3A_172] : memref<8x1024xf32, #tpu.memory_space<vmem>>, vector<8x128xf32>
    tpu.vector_store %arg6[%swap3A_171, %swap3A_172], %scan3A_163#5 {strides = array<i32>} : memref<8x1024xf32, #tpu.memory_space<vmem>>, vector<8x128xf32>,
    %swap3A_174 = arith.constant 0 : index
    %swap3A_175 = arith.constant 768 : index
    %swap3A_176 = vector.load %arg7[%swap3A_174, %swap3A_175] : memref<8x1024xf32, #tpu.memory_space<vmem>>, vector<8x128xf32>
    tpu.vector_store %arg7[%swap3A_174, %swap3A_175], %scan3A_163#6 {strides = array<i32>} : memref<8x1024xf32, #tpu.memory_space<vmem>>, vector<8x128xf32>,
    %scan3A_177 = arith.constant 896 : i32
    %scan3A_178 = arith.constant 896 : i32
    %scan3A_179 = arith.constant 128 : i32
    %scan3A_180 = arith.addi %scan3A_178, %scan3A_179 : i32
    %scan3A_181 = arith.constant 1 : i32
    %scan3A_182:7 = scf.for %scan3A_196 = %scan3A_178 to %scan3A_180 step %scan3A_181 iter_args(%scan3A_197 = %scan3A_163#0, %scan3A_198 = %scan3A_163#1, %scan3A_199 = %scan3A_163#2, %scan3A_200 = %broadcast_in_dim3A_30, %scan3A_201 = %broadcast_in_dim3A_28, %scan3A_202 = %broadcast_in_dim3A_28, %scan3A_203 = %broadcast_in_dim3A_28) -> (vector<8x1xf32>, vector<8x1xf32>, vector<8x1xf32>, vector<8x128xi32>, vector<8x128xf32>, vector<8x128xf32>, vector<8x128xf32>)  : i32 {
      %sub3A = vector.broadcast %scan3A_197 : vector<8x1xf32> to vector<8x4096xf32>
      %sub3A_204 = arith.subf %get3A_1, %sub3A : vector<8x4096xf32>
      %sub3A_205 = vector.broadcast %scan3A_198 : vector<8x1xf32> to vector<8x4096xf32>
      %sub3A_206 = arith.subf %get3A_4, %sub3A_205 : vector<8x4096xf32>
      %sub3A_207 = vector.broadcast %scan3A_199 : vector<8x1xf32> to vector<8x4096xf32>
      %sub3A_208 = arith.subf %get3A_7, %sub3A_207 : vector<8x4096xf32>
      %mul3A = arith.mulf %sub3A_204, %sub3A_204 : vector<8x4096xf32>
      %mul3A_209 = arith.mulf %sub3A_206, %sub3A_206 : vector<8x4096xf32>
      %add3A = arith.addf %mul3A, %mul3A_209 : vector<8x4096xf32>
      %mul3A_210 = arith.mulf %sub3A_208, %sub3A_208 : vector<8x4096xf32>
      %add3A_211 = arith.addf %add3A, %mul3A_210 : vector<8x4096xf32>
      %add3A_212 = arith.constant 9.99999996E-13 : f32
      %add3A_213 = vector.broadcast %add3A_212 : f32 to vector<8x4096xf32>
      %add3A_214 = arith.addf %add3A_211, %add3A_213 : vector<8x4096xf32>
      %sqrt3A = math.sqrt %add3A_214 : vector<8x4096xf32>
      %reduce_max3A = arith.constant dense<0xFF800000> : vector<8xf32>
      %reduce_max3A_215 = vector.multi_reduction <maximumf>, %sqrt3A, %reduce_max3A [1] : vector<8x4096xf32> to vector<8xf32>
      %broadcast_in_dim3A_216 = vector.shape_cast %reduce_max3A_215 : vector<8xf32> to vector<8x1xf32>
      %eq3A_217 = vector.broadcast %broadcast_in_dim3A_216 : vector<8x1xf32> to vector<8x4096xf32>
      %eq3A_218 = arith.cmpf oeq, %sqrt3A, %eq3A_217 : vector<8x4096xf32>
      %jit3A_219 = arith.constant 4096 : i32
      %broadcast_in_dim3A_220 = vector.broadcast %jit3A_219 : i32 to vector<8x4096xi32>
      %select_n3A_221 = arith.select %eq3A_218, %iota3A, %broadcast_in_dim3A_220 : vector<8x4096xi1>, vector<8x4096xi32>
      %reduce_min3A = arith.constant dense<2147483647> : vector<8xi32>
      %reduce_min3A_222 = vector.multi_reduction <minsi>, %select_n3A_221, %reduce_min3A [1] : vector<8x4096xi32> to vector<8xi32>
      %broadcast_in_dim3A_223 = vector.shape_cast %reduce_min3A_222 : vector<8xi32> to vector<8x1xi32>
      %eq3A_224 = vector.broadcast %broadcast_in_dim3A_223 : vector<8x1xi32> to vector<8x4096xi32>
      %eq3A_225 = arith.cmpi eq, %iota3A, %eq3A_224 : vector<8x4096xi32>
      %jit3A_226 = arith.constant 0.000000e+00 : f32
      %broadcast_in_dim3A_227 = vector.broadcast %jit3A_226 : f32 to vector<8x4096xf32>
      %select_n3A_228 = arith.select %eq3A_225, %get3A_1, %broadcast_in_dim3A_227 : vector<8x4096xi1>, vector<8x4096xf32>
      %reduce_sum3A_229 = arith.constant dense<0.000000e+00> : vector<8xf32>
      %reduce_sum3A_230 = vector.multi_reduction <add>, %select_n3A_228, %reduce_sum3A_229 [1] : vector<8x4096xf32> to vector<8xf32>
      %broadcast_in_dim3A_231 = vector.shape_cast %reduce_sum3A_230 : vector<8xf32> to vector<8x1xf32>
      %jit3A_232 = arith.constant 0.000000e+00 : f32
      %broadcast_in_dim3A_233 = vector.broadcast %jit3A_232 : f32 to vector<8x4096xf32>
      %select_n3A_234 = arith.select %eq3A_225, %get3A_4, %broadcast_in_dim3A_233 : vector<8x4096xi1>, vector<8x4096xf32>
      %reduce_sum3A_235 = arith.constant dense<0.000000e+00> : vector<8xf32>
      %reduce_sum3A_236 = vector.multi_reduction <add>, %select_n3A_234, %reduce_sum3A_235 [1] : vector<8x4096xf32> to vector<8xf32>
      %broadcast_in_dim3A_237 = vector.shape_cast %reduce_sum3A_236 : vector<8xf32> to vector<8x1xf32>
      %jit3A_238 = arith.constant 0.000000e+00 : f32
      %broadcast_in_dim3A_239 = vector.broadcast %jit3A_238 : f32 to vector<8x4096xf32>
      %select_n3A_240 = arith.select %eq3A_225, %get3A_7, %broadcast_in_dim3A_239 : vector<8x4096xi1>, vector<8x4096xf32>
      %reduce_sum3A_241 = arith.constant dense<0.000000e+00> : vector<8xf32>
      %reduce_sum3A_242 = vector.multi_reduction <add>, %select_n3A_240, %reduce_sum3A_241 [1] : vector<8x4096xf32> to vector<8xf32>
      %broadcast_in_dim3A_243 = vector.shape_cast %reduce_sum3A_242 : vector<8xf32> to vector<8x1xf32>
      %sub3A_244 = arith.subi %scan3A_196, %scan3A_177 : i32
      %eq3A_245 = vector.broadcast %sub3A_244 : i32 to vector<8x128xi32>
      %eq3A_246 = arith.cmpi eq, %iota3A_26, %eq3A_245 : vector<8x128xi32>
      %broadcast_in_dim3A_247 = vector.shape_cast %broadcast_in_dim3A_223 : vector<8x1xi32> to vector<8x1xi32>
      %broadcast_in_dim3A_248 = vector.broadcast %broadcast_in_dim3A_247 : vector<8x1xi32> to vector<8x128xi32>
      %select_n3A_249 = arith.select %eq3A_246, %broadcast_in_dim3A_248, %scan3A_200 : vector<8x128xi1>, vector<8x128xi32>
      %broadcast_in_dim3A_250 = vector.shape_cast %broadcast_in_dim3A_231 : vector<8x1xf32> to vector<8x1xf32>
      %broadcast_in_dim3A_251 = vector.broadcast %broadcast_in_dim3A_250 : vector<8x1xf32> to vector<8x128xf32>
      %select_n3A_252 = arith.select %eq3A_246, %broadcast_in_dim3A_251, %scan3A_201 : vector<8x128xi1>, vector<8x128xf32>
      %broadcast_in_dim3A_253 = vector.shape_cast %broadcast_in_dim3A_237 : vector<8x1xf32> to vector<8x1xf32>
      %broadcast_in_dim3A_254 = vector.broadcast %broadcast_in_dim3A_253 : vector<8x1xf32> to vector<8x128xf32>
      %select_n3A_255 = arith.select %eq3A_246, %broadcast_in_dim3A_254, %scan3A_202 : vector<8x128xi1>, vector<8x128xf32>
      %broadcast_in_dim3A_256 = vector.shape_cast %broadcast_in_dim3A_243 : vector<8x1xf32> to vector<8x1xf32>
      %broadcast_in_dim3A_257 = vector.broadcast %broadcast_in_dim3A_256 : vector<8x1xf32> to vector<8x128xf32>
      %select_n3A_258 = arith.select %eq3A_246, %broadcast_in_dim3A_257, %scan3A_203 : vector<8x128xi1>, vector<8x128xf32>
      scf.yield %broadcast_in_dim3A_231, %broadcast_in_dim3A_237, %broadcast_in_dim3A_243, %select_n3A_249, %select_n3A_252, %select_n3A_255, %select_n3A_258 : vector<8x1xf32>, vector<8x1xf32>, vector<8x1xf32>, vector<8x128xi32>, vector<8x128xf32>, vector<8x128xf32>, vector<8x128xf32>
    }
    %scan3A_183 = arith.constant 128 : i32
    %swap3A_184 = arith.constant 0 : index
    %swap3A_185 = arith.constant 896 : index
    %swap3A_186 = vector.load %arg4[%swap3A_184, %swap3A_185] : memref<8x1024xi32, #tpu.memory_space<vmem>>, vector<8x128xi32>
    tpu.vector_store %arg4[%swap3A_184, %swap3A_185], %scan3A_182#3 {strides = array<i32>} : memref<8x1024xi32, #tpu.memory_space<vmem>>, vector<8x128xi32>,
    %swap3A_187 = arith.constant 0 : index
    %swap3A_188 = arith.constant 896 : index
    %swap3A_189 = vector.load %arg5[%swap3A_187, %swap3A_188] : memref<8x1024xf32, #tpu.memory_space<vmem>>, vector<8x128xf32>
    tpu.vector_store %arg5[%swap3A_187, %swap3A_188], %scan3A_182#4 {strides = array<i32>} : memref<8x1024xf32, #tpu.memory_space<vmem>>, vector<8x128xf32>,
    %swap3A_190 = arith.constant 0 : index
    %swap3A_191 = arith.constant 896 : index
    %swap3A_192 = vector.load %arg6[%swap3A_190, %swap3A_191] : memref<8x1024xf32, #tpu.memory_space<vmem>>, vector<8x128xf32>
    tpu.vector_store %arg6[%swap3A_190, %swap3A_191], %scan3A_182#5 {strides = array<i32>} : memref<8x1024xf32, #tpu.memory_space<vmem>>, vector<8x128xf32>,
    %swap3A_193 = arith.constant 0 : index
    %swap3A_194 = arith.constant 896 : index
    %swap3A_195 = vector.load %arg7[%swap3A_193, %swap3A_194] : memref<8x1024xf32, #tpu.memory_space<vmem>>, vector<8x128xf32>
    tpu.vector_store %arg7[%swap3A_193, %swap3A_194], %scan3A_182#6 {strides = array<i32>} : memref<8x1024xf32, #tpu.memory_space<vmem>>, vector<8x128xf32>,
    return
  }
}

module attributes {stable_mosaic.version = 14 : i64} {
  func.func @_dist_body(%arg0: i32, %arg1: i32, %arg2: memref<1x128x8xf32, #tpu.memory_space<vmem>>, %arg3: memref<1x8x4096xf32, #tpu.memory_space<vmem>>, %arg4: memref<1x128x4096xf32, #tpu.memory_space<vmem>>) attributes {dimension_semantics = [#tpu.dimension_semantics<arbitrary>, #tpu.dimension_semantics<arbitrary>], iteration_bounds = array<i64: 8, 8>, scalar_prefetch = 0 : i64, scratch_operands = 0 : i64, tpu.core_type = #tpu.core_type<tc>, window_params = [{transform_indices = @transform_0, window_bounds = array<i64: 1, 128, 8>}, {transform_indices = @transform_1, window_bounds = array<i64: 1, 8, 4096>}, {transform_indices = @transform_2, window_bounds = array<i64: 1, 128, 4096>}]} {
    %get3A = arith.constant 0 : index
    %get3A_0 = arith.constant 0 : index
    %get3A_1 = arith.constant 0 : index
    %get3A_2 = vector.load %arg2[%get3A, %get3A_0, %get3A_1] : memref<1x128x8xf32, #tpu.memory_space<vmem>>, vector<1x128x8xf32>
    %get3A_3 = vector.shape_cast %get3A_2 : vector<1x128x8xf32> to vector<128x8xf32>
    %get3A_4 = arith.constant 0 : index
    %get3A_5 = arith.constant 0 : index
    %get3A_6 = arith.constant 0 : index
    %get3A_7 = vector.load %arg3[%get3A_4, %get3A_5, %get3A_6] : memref<1x8x4096xf32, #tpu.memory_space<vmem>>, vector<1x8x4096xf32>
    %get3A_8 = vector.shape_cast %get3A_7 : vector<1x8x4096xf32> to vector<8x4096xf32>
    %mul3A = arith.mulf %get3A_3, %get3A_3 : vector<128x8xf32>
    %reduce_sum3A = arith.constant dense<0.000000e+00> : vector<128xf32>
    %reduce_sum3A_9 = vector.multi_reduction <add>, %mul3A, %reduce_sum3A [1] : vector<128x8xf32> to vector<128xf32>
    %broadcast_in_dim3A = vector.shape_cast %reduce_sum3A_9 : vector<128xf32> to vector<128x1xf32>
    %mul3A_10 = arith.mulf %get3A_8, %get3A_8 : vector<8x4096xf32>
    %reduce_sum3A_11 = arith.constant dense<0.000000e+00> : vector<4096xf32>
    %reduce_sum3A_12 = vector.multi_reduction <add>, %mul3A_10, %reduce_sum3A_11 [0] : vector<8x4096xf32> to vector<4096xf32>
    %broadcast_in_dim3A_13 = vector.shape_cast %reduce_sum3A_12 : vector<4096xf32> to vector<1x4096xf32>
    %convert_element_type3A = arith.truncf %get3A_3 : vector<128x8xf32> to vector<128x8xbf16>
    %convert_element_type3A_14 = arith.truncf %get3A_8 : vector<8x4096xf32> to vector<8x4096xbf16>
    %dot_general3A = arith.constant dense<0.000000e+00> : vector<128x4096xf32>
    %dot_general3A_15 = tpu.matmul %convert_element_type3A, %convert_element_type3A_14, %dot_general3A {dimension_numbers = #tpu.dot_dimension_numbers<[1], [0], [0], [1], [0, 0, 1, 1], [], []>, transpose_lhs_hint = false} : vector<128x8xbf16>, vector<8x4096xbf16>, vector<128x4096xf32> -> vector<128x4096xf32>
    %add3A = vector.broadcast %broadcast_in_dim3A : vector<128x1xf32> to vector<128x4096xf32>
    %add3A_16 = vector.broadcast %broadcast_in_dim3A_13 : vector<1x4096xf32> to vector<128x4096xf32>
    %add3A_17 = arith.addf %add3A, %add3A_16 : vector<128x4096xf32>
    %mul3A_18 = arith.constant 2.000000e+00 : f32
    %mul3A_19 = vector.broadcast %mul3A_18 : f32 to vector<128x4096xf32>
    %mul3A_20 = arith.mulf %mul3A_19, %dot_general3A_15 : vector<128x4096xf32>
    %sub3A = arith.subf %add3A_17, %mul3A_20 : vector<128x4096xf32>
    %max3A = arith.constant 0.000000e+00 : f32
    %max3A_21 = vector.broadcast %max3A : f32 to vector<128x4096xf32>
    %max3A_22 = arith.maximumf %sub3A, %max3A_21 : vector<128x4096xf32>
    %add3A_23 = arith.constant 9.99999996E-13 : f32
    %add3A_24 = vector.broadcast %add3A_23 : f32 to vector<128x4096xf32>
    %add3A_25 = arith.addf %max3A_22, %add3A_24 : vector<128x4096xf32>
    %sqrt3A = math.sqrt %add3A_25 : vector<128x4096xf32>
    %min3A = arith.constant 4.000000e-02 : f32
    %min3A_26 = vector.broadcast %min3A : f32 to vector<128x4096xf32>
    %min3A_27 = arith.minimumf %sqrt3A, %min3A_26 : vector<128x4096xf32>
    %swap3A = arith.constant 0 : index
    %swap3A_28 = arith.constant 0 : index
    %swap3A_29 = arith.constant 0 : index
    %swap3A_30 = vector.load %arg4[%swap3A, %swap3A_28, %swap3A_29] : memref<1x128x4096xf32, #tpu.memory_space<vmem>>, vector<1x128x4096xf32>
    %swap3A_31 = vector.shape_cast %swap3A_30 : vector<1x128x4096xf32> to vector<128x4096xf32>
    %swap3A_32 = vector.shape_cast %min3A_27 : vector<128x4096xf32> to vector<1x128x4096xf32>
    tpu.vector_store %arg4[%swap3A, %swap3A_28, %swap3A_29], %swap3A_32 {strides = array<i32>} : memref<1x128x4096xf32, #tpu.memory_space<vmem>>, vector<1x128x4096xf32>,
    return
  }
  func.func @transform_0(%arg0: i32, %arg1: i32) -> (i32, i32, i32) {
    %c0_i32 = arith.constant 0 : i32
    %c0_i32_0 = arith.constant 0 : i32
    return %arg0, %arg1, %c0_i32 : i32, i32, i32
  }
  func.func @transform_1(%arg0: i32, %arg1: i32) -> (i32, i32, i32) {
    %c0_i32 = arith.constant 0 : i32
    %c0_i32_0 = arith.constant 0 : i32
    %c0_i32_1 = arith.constant 0 : i32
    return %arg0, %c0_i32, %c0_i32_0 : i32, i32, i32
  }
  func.func @transform_2(%arg0: i32, %arg1: i32) -> (i32, i32, i32) {
    %c0_i32 = arith.constant 0 : i32
    %c0_i32_0 = arith.constant 0 : i32
    return %arg0, %arg1, %c0_i32 : i32, i32, i32
  }
}

module attributes {stable_mosaic.version = 14 : i64} {
  func.func @_p1_body(%arg0: i32, %arg1: memref<1024x8xf32, #tpu.memory_space<vmem>>, %arg2: memref<8x64xf32, #tpu.memory_space<vmem>>, %arg3: memref<1x64xf32, #tpu.memory_space<vmem>>, %arg4: memref<2x64xf32, #tpu.memory_space<vmem>>) attributes {dimension_semantics = [#tpu.dimension_semantics<arbitrary>], iteration_bounds = array<i64: 256>, scalar_prefetch = 0 : i64, scratch_operands = 0 : i64, tpu.core_type = #tpu.core_type<tc>, window_params = [{transform_indices = @transform_0, window_bounds = array<i64: 1024, 8>}, {pipeline_mode = #tpu.pipeline_mode<synchronous>, transform_indices = @transform_1, window_bounds = array<i64: 8, 64>}, {pipeline_mode = #tpu.pipeline_mode<synchronous>, transform_indices = @transform_2, window_bounds = array<i64: 1, 64>}, {pipeline_mode = #tpu.pipeline_mode<synchronous>, transform_indices = @transform_3, window_bounds = array<i64: 2, 64>}]} {
    %get3A = arith.constant 0 : index
    %get3A_0 = arith.constant 0 : index
    %get3A_1 = vector.load %arg1[%get3A, %get3A_0] : memref<1024x8xf32, #tpu.memory_space<vmem>>, vector<1024x8xf32>
    %get3A_2 = arith.constant 0 : index
    %get3A_3 = arith.constant 0 : index
    %get3A_4 = vector.load %arg2[%get3A_2, %get3A_3] : memref<8x64xf32, #tpu.memory_space<vmem>>, vector<8x64xf32>
    %convert_element_type3A = arith.truncf %get3A_1 : vector<1024x8xf32> to vector<1024x8xbf16>
    %convert_element_type3A_5 = arith.truncf %get3A_4 : vector<8x64xf32> to vector<8x64xbf16>
    %dot_general3A = arith.constant dense<0.000000e+00> : vector<1024x64xf32>
    %dot_general3A_6 = tpu.matmul %convert_element_type3A, %convert_element_type3A_5, %dot_general3A {dimension_numbers = #tpu.dot_dimension_numbers<[1], [0], [0], [1], [0, 0, 1, 1], [], []>, transpose_lhs_hint = false} : vector<1024x8xbf16>, vector<8x64xbf16>, vector<1024x64xf32> -> vector<1024x64xf32>
    %get3A_7 = arith.constant 0 : index
    %get3A_8 = arith.constant 0 : index
    %get3A_9 = vector.load %arg3[%get3A_7, %get3A_8] : memref<1x64xf32, #tpu.memory_space<vmem>>, vector<1x64xf32>
    %add3A = vector.broadcast %get3A_9 : vector<1x64xf32> to vector<1024x64xf32>
    %add3A_10 = arith.addf %dot_general3A_6, %add3A : vector<1024x64xf32>
    %reduce_sum3A = arith.constant dense<0.000000e+00> : vector<64xf32>
    %reduce_sum3A_11 = vector.multi_reduction <add>, %add3A_10, %reduce_sum3A [0] : vector<1024x64xf32> to vector<64xf32>
    %broadcast_in_dim3A = vector.shape_cast %reduce_sum3A_11 : vector<64xf32> to vector<1x64xf32>
    %mul3A = arith.mulf %add3A_10, %add3A_10 : vector<1024x64xf32>
    %reduce_sum3A_12 = arith.constant dense<0.000000e+00> : vector<64xf32>
    %reduce_sum3A_13 = vector.multi_reduction <add>, %mul3A, %reduce_sum3A_12 [0] : vector<1024x64xf32> to vector<64xf32>
    %broadcast_in_dim3A_14 = vector.shape_cast %reduce_sum3A_13 : vector<64xf32> to vector<1x64xf32>
    %concatenate3A = tpu.concatenate %broadcast_in_dim3A, %broadcast_in_dim3A_14 in 0 : vector<1x64xf32>, vector<1x64xf32> -> vector<2x64xf32>
    %eq3A = arith.constant 0 : i32
    %eq3A_15 = arith.cmpi eq, %arg0, %eq3A : i32
    %convert_element_type3A_16 = arith.extui %eq3A_15 : i1 to i32
    %cond3A = arith.constant 0 : i32
    %cond3A_17 = arith.cmpi ne, %convert_element_type3A_16, %cond3A : i32
    scf.if %cond3A_17 {
      %broadcast_in_dim3A_24 = arith.constant 0.000000e+00 : f32
      %broadcast_in_dim3A_25 = vector.broadcast %broadcast_in_dim3A_24 : f32 to vector<2x64xf32>
      %swap3A_26 = arith.constant 0 : index
      %swap3A_27 = arith.constant 0 : index
      %swap3A_28 = vector.load %arg4[%swap3A_26, %swap3A_27] : memref<2x64xf32, #tpu.memory_space<vmem>>, vector<2x64xf32>
      tpu.vector_store %arg4[%swap3A_26, %swap3A_27], %broadcast_in_dim3A_25 {strides = array<i32>} : memref<2x64xf32, #tpu.memory_space<vmem>>, vector<2x64xf32>,
    } else {
    }
    %get3A_18 = arith.constant 0 : index
    %get3A_19 = arith.constant 0 : index
    %get3A_20 = vector.load %arg4[%get3A_18, %get3A_19] : memref<2x64xf32, #tpu.memory_space<vmem>>, vector<2x64xf32>
    %add3A_21 = arith.addf %get3A_20, %concatenate3A : vector<2x64xf32>
    %swap3A = arith.constant 0 : index
    %swap3A_22 = arith.constant 0 : index
    %swap3A_23 = vector.load %arg4[%swap3A, %swap3A_22] : memref<2x64xf32, #tpu.memory_space<vmem>>, vector<2x64xf32>
    tpu.vector_store %arg4[%swap3A, %swap3A_22], %add3A_21 {strides = array<i32>} : memref<2x64xf32, #tpu.memory_space<vmem>>, vector<2x64xf32>,
    return
  }
  func.func @transform_0(%arg0: i32) -> (i32, i32) {
    %c0_i32 = arith.constant 0 : i32
    %c0_i32_0 = arith.constant 0 : i32
    return %arg0, %c0_i32 : i32, i32
  }
  func.func @transform_1(%arg0: i32) -> (i32, i32) {
    %c0_i32 = arith.constant 0 : i32
    %c0_i32_0 = arith.constant 0 : i32
    %c0_i32_1 = arith.constant 0 : i32
    return %c0_i32, %c0_i32_0 : i32, i32
  }
  func.func @transform_2(%arg0: i32) -> (i32, i32) {
    %c0_i32 = arith.constant 0 : i32
    %c0_i32_0 = arith.constant 0 : i32
    %c0_i32_1 = arith.constant 0 : i32
    return %c0_i32, %c0_i32_0 : i32, i32
  }
  func.func @transform_3(%arg0: i32) -> (i32, i32) {
    %c0_i32 = arith.constant 0 : i32
    %c0_i32_0 = arith.constant 0 : i32
    %c0_i32_1 = arith.constant 0 : i32
    return %c0_i32, %c0_i32_0 : i32, i32
  }
}

module attributes {stable_mosaic.version = 14 : i64} {
  func.func @_p2_body(%arg0: i32, %arg1: memref<1024x8xf32, #tpu.memory_space<vmem>>, %arg2: memref<8x64xf32, #tpu.memory_space<vmem>>, %arg3: memref<1x64xf32, #tpu.memory_space<vmem>>, %arg4: memref<1x64xf32, #tpu.memory_space<vmem>>, %arg5: memref<1x64xf32, #tpu.memory_space<vmem>>, %arg6: memref<64x128xf32, #tpu.memory_space<vmem>>, %arg7: memref<1x128xf32, #tpu.memory_space<vmem>>, %arg8: memref<1024x64xf32, #tpu.memory_space<vmem>>, %arg9: memref<2x128xf32, #tpu.memory_space<vmem>>) attributes {dimension_semantics = [#tpu.dimension_semantics<arbitrary>], iteration_bounds = array<i64: 256>, scalar_prefetch = 0 : i64, scratch_operands = 0 : i64, tpu.core_type = #tpu.core_type<tc>, window_params = [{transform_indices = @transform_0, window_bounds = array<i64: 1024, 8>}, {pipeline_mode = #tpu.pipeline_mode<synchronous>, transform_indices = @transform_1, window_bounds = array<i64: 8, 64>}, {pipeline_mode = #tpu.pipeline_mode<synchronous>, transform_indices = @transform_2, window_bounds = array<i64: 1, 64>}, {pipeline_mode = #tpu.pipeline_mode<synchronous>, transform_indices = @transform_3, window_bounds = array<i64: 1, 64>}, {pipeline_mode = #tpu.pipeline_mode<synchronous>, transform_indices = @transform_4, window_bounds = array<i64: 1, 64>}, {pipeline_mode = #tpu.pipeline_mode<synchronous>, transform_indices = @transform_5, window_bounds = array<i64: 64, 128>}, {pipeline_mode = #tpu.pipeline_mode<synchronous>, transform_indices = @transform_6, window_bounds = array<i64: 1, 128>}, {transform_indices = @transform_7, window_bounds = array<i64: 1024, 64>}, {pipeline_mode = #tpu.pipeline_mode<synchronous>, transform_indices = @transform_8, window_bounds = array<i64: 2, 128>}]} {
    %get3A = arith.constant 0 : index
    %get3A_0 = arith.constant 0 : index
    %get3A_1 = vector.load %arg1[%get3A, %get3A_0] : memref<1024x8xf32, #tpu.memory_space<vmem>>, vector<1024x8xf32>
    %get3A_2 = arith.constant 0 : index
    %get3A_3 = arith.constant 0 : index
    %get3A_4 = vector.load %arg2[%get3A_2, %get3A_3] : memref<8x64xf32, #tpu.memory_space<vmem>>, vector<8x64xf32>
    %convert_element_type3A = arith.truncf %get3A_1 : vector<1024x8xf32> to vector<1024x8xbf16>
    %convert_element_type3A_5 = arith.truncf %get3A_4 : vector<8x64xf32> to vector<8x64xbf16>
    %dot_general3A = arith.constant dense<0.000000e+00> : vector<1024x64xf32>
    %dot_general3A_6 = tpu.matmul %convert_element_type3A, %convert_element_type3A_5, %dot_general3A {dimension_numbers = #tpu.dot_dimension_numbers<[1], [0], [0], [1], [0, 0, 1, 1], [], []>, transpose_lhs_hint = false} : vector<1024x8xbf16>, vector<8x64xbf16>, vector<1024x64xf32> -> vector<1024x64xf32>
    %get3A_7 = arith.constant 0 : index
    %get3A_8 = arith.constant 0 : index
    %get3A_9 = vector.load %arg3[%get3A_7, %get3A_8] : memref<1x64xf32, #tpu.memory_space<vmem>>, vector<1x64xf32>
    %add3A = vector.broadcast %get3A_9 : vector<1x64xf32> to vector<1024x64xf32>
    %add3A_10 = arith.addf %dot_general3A_6, %add3A : vector<1024x64xf32>
    %get3A_11 = arith.constant 0 : index
    %get3A_12 = arith.constant 0 : index
    %get3A_13 = vector.load %arg4[%get3A_11, %get3A_12] : memref<1x64xf32, #tpu.memory_space<vmem>>, vector<1x64xf32>
    %mul3A = vector.broadcast %get3A_13 : vector<1x64xf32> to vector<1024x64xf32>
    %mul3A_14 = arith.mulf %add3A_10, %mul3A : vector<1024x64xf32>
    %get3A_15 = arith.constant 0 : index
    %get3A_16 = arith.constant 0 : index
    %get3A_17 = vector.load %arg5[%get3A_15, %get3A_16] : memref<1x64xf32, #tpu.memory_space<vmem>>, vector<1x64xf32>
    %add3A_18 = vector.broadcast %get3A_17 : vector<1x64xf32> to vector<1024x64xf32>
    %add3A_19 = arith.addf %mul3A_14, %add3A_18 : vector<1024x64xf32>
    %max3A = arith.constant 0.000000e+00 : f32
    %max3A_20 = vector.broadcast %max3A : f32 to vector<1024x64xf32>
    %max3A_21 = arith.maximumf %add3A_19, %max3A_20 : vector<1024x64xf32>
    %swap3A = arith.constant 0 : index
    %swap3A_22 = arith.constant 0 : index
    %swap3A_23 = vector.load %arg8[%swap3A, %swap3A_22] : memref<1024x64xf32, #tpu.memory_space<vmem>>, vector<1024x64xf32>
    tpu.vector_store %arg8[%swap3A, %swap3A_22], %max3A_21 {strides = array<i32>} : memref<1024x64xf32, #tpu.memory_space<vmem>>, vector<1024x64xf32>,
    %get3A_24 = arith.constant 0 : index
    %get3A_25 = arith.constant 0 : index
    %get3A_26 = vector.load %arg6[%get3A_24, %get3A_25] : memref<64x128xf32, #tpu.memory_space<vmem>>, vector<64x128xf32>
    %convert_element_type3A_27 = arith.truncf %max3A_21 : vector<1024x64xf32> to vector<1024x64xbf16>
    %convert_element_type3A_28 = arith.truncf %get3A_26 : vector<64x128xf32> to vector<64x128xbf16>
    %dot_general3A_29 = arith.constant dense<0.000000e+00> : vector<1024x128xf32>
    %dot_general3A_30 = tpu.matmul %convert_element_type3A_27, %convert_element_type3A_28, %dot_general3A_29 {dimension_numbers = #tpu.dot_dimension_numbers<[1], [0], [0], [1], [0, 0, 1, 1], [], []>, transpose_lhs_hint = false} : vector<1024x64xbf16>, vector<64x128xbf16>, vector<1024x128xf32> -> vector<1024x128xf32>
    %get3A_31 = arith.constant 0 : index
    %get3A_32 = arith.constant 0 : index
    %get3A_33 = vector.load %arg7[%get3A_31, %get3A_32] : memref<1x128xf32, #tpu.memory_space<vmem>>, vector<1x128xf32>
    %add3A_34 = vector.broadcast %get3A_33 : vector<1x128xf32> to vector<1024x128xf32>
    %add3A_35 = arith.addf %dot_general3A_30, %add3A_34 : vector<1024x128xf32>
    %reduce_sum3A = arith.constant dense<0.000000e+00> : vector<128xf32>
    %reduce_sum3A_36 = vector.multi_reduction <add>, %add3A_35, %reduce_sum3A [0] : vector<1024x128xf32> to vector<128xf32>
    %broadcast_in_dim3A = vector.shape_cast %reduce_sum3A_36 : vector<128xf32> to vector<1x128xf32>
    %mul3A_37 = arith.mulf %add3A_35, %add3A_35 : vector<1024x128xf32>
    %reduce_sum3A_38 = arith.constant dense<0.000000e+00> : vector<128xf32>
    %reduce_sum3A_39 = vector.multi_reduction <add>, %mul3A_37, %reduce_sum3A_38 [0] : vector<1024x128xf32> to vector<128xf32>
    %broadcast_in_dim3A_40 = vector.shape_cast %reduce_sum3A_39 : vector<128xf32> to vector<1x128xf32>
    %concatenate3A = tpu.concatenate %broadcast_in_dim3A, %broadcast_in_dim3A_40 in 0 : vector<1x128xf32>, vector<1x128xf32> -> vector<2x128xf32>
    %eq3A = arith.constant 0 : i32
    %eq3A_41 = arith.cmpi eq, %arg0, %eq3A : i32
    %convert_element_type3A_42 = arith.extui %eq3A_41 : i1 to i32
    %cond3A = arith.constant 0 : i32
    %cond3A_43 = arith.cmpi ne, %convert_element_type3A_42, %cond3A : i32
    scf.if %cond3A_43 {
      %broadcast_in_dim3A_51 = arith.constant 0.000000e+00 : f32
      %broadcast_in_dim3A_52 = vector.broadcast %broadcast_in_dim3A_51 : f32 to vector<2x128xf32>
      %swap3A_53 = arith.constant 0 : index
      %swap3A_54 = arith.constant 0 : index
      %swap3A_55 = vector.load %arg9[%swap3A_53, %swap3A_54] : memref<2x128xf32, #tpu.memory_space<vmem>>, vector<2x128xf32>
      tpu.vector_store %arg9[%swap3A_53, %swap3A_54], %broadcast_in_dim3A_52 {strides = array<i32>} : memref<2x128xf32, #tpu.memory_space<vmem>>, vector<2x128xf32>,
    } else {
    }
    %get3A_44 = arith.constant 0 : index
    %get3A_45 = arith.constant 0 : index
    %get3A_46 = vector.load %arg9[%get3A_44, %get3A_45] : memref<2x128xf32, #tpu.memory_space<vmem>>, vector<2x128xf32>
    %add3A_47 = arith.addf %get3A_46, %concatenate3A : vector<2x128xf32>
    %swap3A_48 = arith.constant 0 : index
    %swap3A_49 = arith.constant 0 : index
    %swap3A_50 = vector.load %arg9[%swap3A_48, %swap3A_49] : memref<2x128xf32, #tpu.memory_space<vmem>>, vector<2x128xf32>
    tpu.vector_store %arg9[%swap3A_48, %swap3A_49], %add3A_47 {strides = array<i32>} : memref<2x128xf32, #tpu.memory_space<vmem>>, vector<2x128xf32>,
    return
  }
  func.func @transform_0(%arg0: i32) -> (i32, i32) {
    %c0_i32 = arith.constant 0 : i32
    %c0_i32_0 = arith.constant 0 : i32
    return %arg0, %c0_i32 : i32, i32
  }
  func.func @transform_1(%arg0: i32) -> (i32, i32) {
    %c0_i32 = arith.constant 0 : i32
    %c0_i32_0 = arith.constant 0 : i32
    %c0_i32_1 = arith.constant 0 : i32
    return %c0_i32, %c0_i32_0 : i32, i32
  }
  func.func @transform_2(%arg0: i32) -> (i32, i32) {
    %c0_i32 = arith.constant 0 : i32
    %c0_i32_0 = arith.constant 0 : i32
    %c0_i32_1 = arith.constant 0 : i32
    return %c0_i32, %c0_i32_0 : i32, i32
  }
  func.func @transform_3(%arg0: i32) -> (i32, i32) {
    %c0_i32 = arith.constant 0 : i32
    %c0_i32_0 = arith.constant 0 : i32
    %c0_i32_1 = arith.constant 0 : i32
    return %c0_i32, %c0_i32_0 : i32, i32
  }
  func.func @transform_4(%arg0: i32) -> (i32, i32) {
    %c0_i32 = arith.constant 0 : i32
    %c0_i32_0 = arith.constant 0 : i32
    %c0_i32_1 = arith.constant 0 : i32
    return %c0_i32, %c0_i32_0 : i32, i32
  }
  func.func @transform_5(%arg0: i32) -> (i32, i32) {
    %c0_i32 = arith.constant 0 : i32
    %c0_i32_0 = arith.constant 0 : i32
    %c0_i32_1 = arith.constant 0 : i32
    return %c0_i32, %c0_i32_0 : i32, i32
  }
  func.func @transform_6(%arg0: i32) -> (i32, i32) {
    %c0_i32 = arith.constant 0 : i32
    %c0_i32_0 = arith.constant 0 : i32
    %c0_i32_1 = arith.constant 0 : i32
    return %c0_i32, %c0_i32_0 : i32, i32
  }
  func.func @transform_7(%arg0: i32) -> (i32, i32) {
    %c0_i32 = arith.constant 0 : i32
    %c0_i32_0 = arith.constant 0 : i32
    return %arg0, %c0_i32 : i32, i32
  }
  func.func @transform_8(%arg0: i32) -> (i32, i32) {
    %c0_i32 = arith.constant 0 : i32
    %c0_i32_0 = arith.constant 0 : i32
    %c0_i32_1 = arith.constant 0 : i32
    return %c0_i32, %c0_i32_0 : i32, i32
  }
}

module attributes {stable_mosaic.version = 14 : i64} {
  func.func @_p3_body(%arg0: i32, %arg1: memref<1024x64xf32, #tpu.memory_space<vmem>>, %arg2: memref<64x128xf32, #tpu.memory_space<vmem>>, %arg3: memref<1x128xf32, #tpu.memory_space<vmem>>, %arg4: memref<1x128xf32, #tpu.memory_space<vmem>>, %arg5: memref<1x128xf32, #tpu.memory_space<vmem>>, %arg6: memref<128x256xf32, #tpu.memory_space<vmem>>, %arg7: memref<1x256xf32, #tpu.memory_space<vmem>>, %arg8: memref<1024x128xf32, #tpu.memory_space<vmem>>, %arg9: memref<2x256xf32, #tpu.memory_space<vmem>>) attributes {dimension_semantics = [#tpu.dimension_semantics<arbitrary>], iteration_bounds = array<i64: 256>, scalar_prefetch = 0 : i64, scratch_operands = 0 : i64, tpu.core_type = #tpu.core_type<tc>, window_params = [{transform_indices = @transform_0, window_bounds = array<i64: 1024, 64>}, {pipeline_mode = #tpu.pipeline_mode<synchronous>, transform_indices = @transform_1, window_bounds = array<i64: 64, 128>}, {pipeline_mode = #tpu.pipeline_mode<synchronous>, transform_indices = @transform_2, window_bounds = array<i64: 1, 128>}, {pipeline_mode = #tpu.pipeline_mode<synchronous>, transform_indices = @transform_3, window_bounds = array<i64: 1, 128>}, {pipeline_mode = #tpu.pipeline_mode<synchronous>, transform_indices = @transform_4, window_bounds = array<i64: 1, 128>}, {pipeline_mode = #tpu.pipeline_mode<synchronous>, transform_indices = @transform_5, window_bounds = array<i64: 128, 256>}, {pipeline_mode = #tpu.pipeline_mode<synchronous>, transform_indices = @transform_6, window_bounds = array<i64: 1, 256>}, {transform_indices = @transform_7, window_bounds = array<i64: 1024, 128>}, {pipeline_mode = #tpu.pipeline_mode<synchronous>, transform_indices = @transform_8, window_bounds = array<i64: 2, 256>}]} {
    %get3A = arith.constant 0 : index
    %get3A_0 = arith.constant 0 : index
    %get3A_1 = vector.load %arg1[%get3A, %get3A_0] : memref<1024x64xf32, #tpu.memory_space<vmem>>, vector<1024x64xf32>
    %get3A_2 = arith.constant 0 : index
    %get3A_3 = arith.constant 0 : index
    %get3A_4 = vector.load %arg2[%get3A_2, %get3A_3] : memref<64x128xf32, #tpu.memory_space<vmem>>, vector<64x128xf32>
    %convert_element_type3A = arith.truncf %get3A_1 : vector<1024x64xf32> to vector<1024x64xbf16>
    %convert_element_type3A_5 = arith.truncf %get3A_4 : vector<64x128xf32> to vector<64x128xbf16>
    %dot_general3A = arith.constant dense<0.000000e+00> : vector<1024x128xf32>
    %dot_general3A_6 = tpu.matmul %convert_element_type3A, %convert_element_type3A_5, %dot_general3A {dimension_numbers = #tpu.dot_dimension_numbers<[1], [0], [0], [1], [0, 0, 1, 1], [], []>, transpose_lhs_hint = false} : vector<1024x64xbf16>, vector<64x128xbf16>, vector<1024x128xf32> -> vector<1024x128xf32>
    %get3A_7 = arith.constant 0 : index
    %get3A_8 = arith.constant 0 : index
    %get3A_9 = vector.load %arg3[%get3A_7, %get3A_8] : memref<1x128xf32, #tpu.memory_space<vmem>>, vector<1x128xf32>
    %add3A = vector.broadcast %get3A_9 : vector<1x128xf32> to vector<1024x128xf32>
    %add3A_10 = arith.addf %dot_general3A_6, %add3A : vector<1024x128xf32>
    %get3A_11 = arith.constant 0 : index
    %get3A_12 = arith.constant 0 : index
    %get3A_13 = vector.load %arg4[%get3A_11, %get3A_12] : memref<1x128xf32, #tpu.memory_space<vmem>>, vector<1x128xf32>
    %mul3A = vector.broadcast %get3A_13 : vector<1x128xf32> to vector<1024x128xf32>
    %mul3A_14 = arith.mulf %add3A_10, %mul3A : vector<1024x128xf32>
    %get3A_15 = arith.constant 0 : index
    %get3A_16 = arith.constant 0 : index
    %get3A_17 = vector.load %arg5[%get3A_15, %get3A_16] : memref<1x128xf32, #tpu.memory_space<vmem>>, vector<1x128xf32>
    %add3A_18 = vector.broadcast %get3A_17 : vector<1x128xf32> to vector<1024x128xf32>
    %add3A_19 = arith.addf %mul3A_14, %add3A_18 : vector<1024x128xf32>
    %max3A = arith.constant 0.000000e+00 : f32
    %max3A_20 = vector.broadcast %max3A : f32 to vector<1024x128xf32>
    %max3A_21 = arith.maximumf %add3A_19, %max3A_20 : vector<1024x128xf32>
    %swap3A = arith.constant 0 : index
    %swap3A_22 = arith.constant 0 : index
    %swap3A_23 = vector.load %arg8[%swap3A, %swap3A_22] : memref<1024x128xf32, #tpu.memory_space<vmem>>, vector<1024x128xf32>
    tpu.vector_store %arg8[%swap3A, %swap3A_22], %max3A_21 {strides = array<i32>} : memref<1024x128xf32, #tpu.memory_space<vmem>>, vector<1024x128xf32>,
    %get3A_24 = arith.constant 0 : index
    %get3A_25 = arith.constant 0 : index
    %get3A_26 = vector.load %arg6[%get3A_24, %get3A_25] : memref<128x256xf32, #tpu.memory_space<vmem>>, vector<128x256xf32>
    %convert_element_type3A_27 = arith.truncf %max3A_21 : vector<1024x128xf32> to vector<1024x128xbf16>
    %convert_element_type3A_28 = arith.truncf %get3A_26 : vector<128x256xf32> to vector<128x256xbf16>
    %dot_general3A_29 = arith.constant dense<0.000000e+00> : vector<1024x256xf32>
    %dot_general3A_30 = tpu.matmul %convert_element_type3A_27, %convert_element_type3A_28, %dot_general3A_29 {dimension_numbers = #tpu.dot_dimension_numbers<[1], [0], [0], [1], [0, 0, 1, 1], [], []>, transpose_lhs_hint = false} : vector<1024x128xbf16>, vector<128x256xbf16>, vector<1024x256xf32> -> vector<1024x256xf32>
    %get3A_31 = arith.constant 0 : index
    %get3A_32 = arith.constant 0 : index
    %get3A_33 = vector.load %arg7[%get3A_31, %get3A_32] : memref<1x256xf32, #tpu.memory_space<vmem>>, vector<1x256xf32>
    %add3A_34 = vector.broadcast %get3A_33 : vector<1x256xf32> to vector<1024x256xf32>
    %add3A_35 = arith.addf %dot_general3A_30, %add3A_34 : vector<1024x256xf32>
    %reduce_sum3A = arith.constant dense<0.000000e+00> : vector<256xf32>
    %reduce_sum3A_36 = vector.multi_reduction <add>, %add3A_35, %reduce_sum3A [0] : vector<1024x256xf32> to vector<256xf32>
    %broadcast_in_dim3A = vector.shape_cast %reduce_sum3A_36 : vector<256xf32> to vector<1x256xf32>
    %mul3A_37 = arith.mulf %add3A_35, %add3A_35 : vector<1024x256xf32>
    %reduce_sum3A_38 = arith.constant dense<0.000000e+00> : vector<256xf32>
    %reduce_sum3A_39 = vector.multi_reduction <add>, %mul3A_37, %reduce_sum3A_38 [0] : vector<1024x256xf32> to vector<256xf32>
    %broadcast_in_dim3A_40 = vector.shape_cast %reduce_sum3A_39 : vector<256xf32> to vector<1x256xf32>
    %concatenate3A = tpu.concatenate %broadcast_in_dim3A, %broadcast_in_dim3A_40 in 0 : vector<1x256xf32>, vector<1x256xf32> -> vector<2x256xf32>
    %eq3A = arith.constant 0 : i32
    %eq3A_41 = arith.cmpi eq, %arg0, %eq3A : i32
    %convert_element_type3A_42 = arith.extui %eq3A_41 : i1 to i32
    %cond3A = arith.constant 0 : i32
    %cond3A_43 = arith.cmpi ne, %convert_element_type3A_42, %cond3A : i32
    scf.if %cond3A_43 {
      %broadcast_in_dim3A_51 = arith.constant 0.000000e+00 : f32
      %broadcast_in_dim3A_52 = vector.broadcast %broadcast_in_dim3A_51 : f32 to vector<2x256xf32>
      %swap3A_53 = arith.constant 0 : index
      %swap3A_54 = arith.constant 0 : index
      %swap3A_55 = vector.load %arg9[%swap3A_53, %swap3A_54] : memref<2x256xf32, #tpu.memory_space<vmem>>, vector<2x256xf32>
      tpu.vector_store %arg9[%swap3A_53, %swap3A_54], %broadcast_in_dim3A_52 {strides = array<i32>} : memref<2x256xf32, #tpu.memory_space<vmem>>, vector<2x256xf32>,
    } else {
    }
    %get3A_44 = arith.constant 0 : index
    %get3A_45 = arith.constant 0 : index
    %get3A_46 = vector.load %arg9[%get3A_44, %get3A_45] : memref<2x256xf32, #tpu.memory_space<vmem>>, vector<2x256xf32>
    %add3A_47 = arith.addf %get3A_46, %concatenate3A : vector<2x256xf32>
    %swap3A_48 = arith.constant 0 : index
    %swap3A_49 = arith.constant 0 : index
    %swap3A_50 = vector.load %arg9[%swap3A_48, %swap3A_49] : memref<2x256xf32, #tpu.memory_space<vmem>>, vector<2x256xf32>
    tpu.vector_store %arg9[%swap3A_48, %swap3A_49], %add3A_47 {strides = array<i32>} : memref<2x256xf32, #tpu.memory_space<vmem>>, vector<2x256xf32>,
    return
  }
  func.func @transform_0(%arg0: i32) -> (i32, i32) {
    %c0_i32 = arith.constant 0 : i32
    %c0_i32_0 = arith.constant 0 : i32
    return %arg0, %c0_i32 : i32, i32
  }
  func.func @transform_1(%arg0: i32) -> (i32, i32) {
    %c0_i32 = arith.constant 0 : i32
    %c0_i32_0 = arith.constant 0 : i32
    %c0_i32_1 = arith.constant 0 : i32
    return %c0_i32, %c0_i32_0 : i32, i32
  }
  func.func @transform_2(%arg0: i32) -> (i32, i32) {
    %c0_i32 = arith.constant 0 : i32
    %c0_i32_0 = arith.constant 0 : i32
    %c0_i32_1 = arith.constant 0 : i32
    return %c0_i32, %c0_i32_0 : i32, i32
  }
  func.func @transform_3(%arg0: i32) -> (i32, i32) {
    %c0_i32 = arith.constant 0 : i32
    %c0_i32_0 = arith.constant 0 : i32
    %c0_i32_1 = arith.constant 0 : i32
    return %c0_i32, %c0_i32_0 : i32, i32
  }
  func.func @transform_4(%arg0: i32) -> (i32, i32) {
    %c0_i32 = arith.constant 0 : i32
    %c0_i32_0 = arith.constant 0 : i32
    %c0_i32_1 = arith.constant 0 : i32
    return %c0_i32, %c0_i32_0 : i32, i32
  }
  func.func @transform_5(%arg0: i32) -> (i32, i32) {
    %c0_i32 = arith.constant 0 : i32
    %c0_i32_0 = arith.constant 0 : i32
    %c0_i32_1 = arith.constant 0 : i32
    return %c0_i32, %c0_i32_0 : i32, i32
  }
  func.func @transform_6(%arg0: i32) -> (i32, i32) {
    %c0_i32 = arith.constant 0 : i32
    %c0_i32_0 = arith.constant 0 : i32
    %c0_i32_1 = arith.constant 0 : i32
    return %c0_i32, %c0_i32_0 : i32, i32
  }
  func.func @transform_7(%arg0: i32) -> (i32, i32) {
    %c0_i32 = arith.constant 0 : i32
    %c0_i32_0 = arith.constant 0 : i32
    return %arg0, %c0_i32 : i32, i32
  }
  func.func @transform_8(%arg0: i32) -> (i32, i32) {
    %c0_i32 = arith.constant 0 : i32
    %c0_i32_0 = arith.constant 0 : i32
    %c0_i32_1 = arith.constant 0 : i32
    return %c0_i32, %c0_i32_0 : i32, i32
  }
}

module attributes {stable_mosaic.version = 14 : i64} {
  func.func @_p4_body(%arg0: i32, %arg1: memref<1024x128xf32, #tpu.memory_space<vmem>>, %arg2: memref<128x256xf32, #tpu.memory_space<vmem>>, %arg3: memref<1x256xf32, #tpu.memory_space<vmem>>, %arg4: memref<1x256xf32, #tpu.memory_space<vmem>>, %arg5: memref<1x256xf32, #tpu.memory_space<vmem>>, %arg6: memref<32x256xf32, #tpu.memory_space<vmem>>) attributes {dimension_semantics = [#tpu.dimension_semantics<arbitrary>], iteration_bounds = array<i64: 256>, scalar_prefetch = 0 : i64, scratch_operands = 0 : i64, tpu.core_type = #tpu.core_type<tc>, window_params = [{transform_indices = @transform_0, window_bounds = array<i64: 1024, 128>}, {pipeline_mode = #tpu.pipeline_mode<synchronous>, transform_indices = @transform_1, window_bounds = array<i64: 128, 256>}, {pipeline_mode = #tpu.pipeline_mode<synchronous>, transform_indices = @transform_2, window_bounds = array<i64: 1, 256>}, {pipeline_mode = #tpu.pipeline_mode<synchronous>, transform_indices = @transform_3, window_bounds = array<i64: 1, 256>}, {pipeline_mode = #tpu.pipeline_mode<synchronous>, transform_indices = @transform_4, window_bounds = array<i64: 1, 256>}, {transform_indices = @transform_5, window_bounds = array<i64: 32, 256>}]} {
    %get3A = arith.constant 0 : index
    %get3A_0 = arith.constant 0 : index
    %get3A_1 = vector.load %arg1[%get3A, %get3A_0] : memref<1024x128xf32, #tpu.memory_space<vmem>>, vector<1024x128xf32>
    %get3A_2 = arith.constant 0 : index
    %get3A_3 = arith.constant 0 : index
    %get3A_4 = vector.load %arg2[%get3A_2, %get3A_3] : memref<128x256xf32, #tpu.memory_space<vmem>>, vector<128x256xf32>
    %convert_element_type3A = arith.truncf %get3A_1 : vector<1024x128xf32> to vector<1024x128xbf16>
    %convert_element_type3A_5 = arith.truncf %get3A_4 : vector<128x256xf32> to vector<128x256xbf16>
    %dot_general3A = arith.constant dense<0.000000e+00> : vector<1024x256xf32>
    %dot_general3A_6 = tpu.matmul %convert_element_type3A, %convert_element_type3A_5, %dot_general3A {dimension_numbers = #tpu.dot_dimension_numbers<[1], [0], [0], [1], [0, 0, 1, 1], [], []>, transpose_lhs_hint = false} : vector<1024x128xbf16>, vector<128x256xbf16>, vector<1024x256xf32> -> vector<1024x256xf32>
    %get3A_7 = arith.constant 0 : index
    %get3A_8 = arith.constant 0 : index
    %get3A_9 = vector.load %arg3[%get3A_7, %get3A_8] : memref<1x256xf32, #tpu.memory_space<vmem>>, vector<1x256xf32>
    %add3A = vector.broadcast %get3A_9 : vector<1x256xf32> to vector<1024x256xf32>
    %add3A_10 = arith.addf %dot_general3A_6, %add3A : vector<1024x256xf32>
    %get3A_11 = arith.constant 0 : index
    %get3A_12 = arith.constant 0 : index
    %get3A_13 = vector.load %arg4[%get3A_11, %get3A_12] : memref<1x256xf32, #tpu.memory_space<vmem>>, vector<1x256xf32>
    %mul3A = vector.broadcast %get3A_13 : vector<1x256xf32> to vector<1024x256xf32>
    %mul3A_14 = arith.mulf %add3A_10, %mul3A : vector<1024x256xf32>
    %get3A_15 = arith.constant 0 : index
    %get3A_16 = arith.constant 0 : index
    %get3A_17 = vector.load %arg5[%get3A_15, %get3A_16] : memref<1x256xf32, #tpu.memory_space<vmem>>, vector<1x256xf32>
    %add3A_18 = vector.broadcast %get3A_17 : vector<1x256xf32> to vector<1024x256xf32>
    %add3A_19 = arith.addf %mul3A_14, %add3A_18 : vector<1024x256xf32>
    %max3A = arith.constant 0.000000e+00 : f32
    %max3A_20 = vector.broadcast %max3A : f32 to vector<1024x256xf32>
    %max3A_21 = arith.maximumf %add3A_19, %max3A_20 : vector<1024x256xf32>
    %reshape3A = vector.shape_cast %max3A_21 : vector<1024x256xf32> to vector<32x32x256xf32>
    %reduce_max3A = arith.constant dense<0xFF800000> : vector<32x256xf32>
    %reduce_max3A_22 = vector.multi_reduction <maximumf>, %reshape3A, %reduce_max3A [1] : vector<32x32x256xf32> to vector<32x256xf32>
    %swap3A = arith.constant 0 : index
    %swap3A_23 = arith.constant 0 : index
    %swap3A_24 = vector.load %arg6[%swap3A, %swap3A_23] : memref<32x256xf32, #tpu.memory_space<vmem>>, vector<32x256xf32>
    tpu.vector_store %arg6[%swap3A, %swap3A_23], %reduce_max3A_22 {strides = array<i32>} : memref<32x256xf32, #tpu.memory_space<vmem>>, vector<32x256xf32>,
    return
  }
  func.func @transform_0(%arg0: i32) -> (i32, i32) {
    %c0_i32 = arith.constant 0 : i32
    %c0_i32_0 = arith.constant 0 : i32
    return %arg0, %c0_i32 : i32, i32
  }
  func.func @transform_1(%arg0: i32) -> (i32, i32) {
    %c0_i32 = arith.constant 0 : i32
    %c0_i32_0 = arith.constant 0 : i32
    %c0_i32_1 = arith.constant 0 : i32
    return %c0_i32, %c0_i32_0 : i32, i32
  }
  func.func @transform_2(%arg0: i32) -> (i32, i32) {
    %c0_i32 = arith.constant 0 : i32
    %c0_i32_0 = arith.constant 0 : i32
    %c0_i32_1 = arith.constant 0 : i32
    return %c0_i32, %c0_i32_0 : i32, i32
  }
  func.func @transform_3(%arg0: i32) -> (i32, i32) {
    %c0_i32 = arith.constant 0 : i32
    %c0_i32_0 = arith.constant 0 : i32
    %c0_i32_1 = arith.constant 0 : i32
    return %c0_i32, %c0_i32_0 : i32, i32
  }
  func.func @transform_4(%arg0: i32) -> (i32, i32) {
    %c0_i32 = arith.constant 0 : i32
    %c0_i32_0 = arith.constant 0 : i32
    %c0_i32_1 = arith.constant 0 : i32
    return %c0_i32, %c0_i32_0 : i32, i32
  }
  func.func @transform_5(%arg0: i32) -> (i32, i32) {
    %c0_i32 = arith.constant 0 : i32
    %c0_i32_0 = arith.constant 0 : i32
    return %arg0, %c0_i32 : i32, i32
  }
}

</mosaic_0001>

<sc_bundles>
// kernel: kernel.9.cloned.1.call-start
scs
__scs_entry_jumppad:
0x0: {  	(pc) =	sbr.rel $0x88, $3  }
0x1: {  	(tag) =	ssettag $0x0;
	lr =	simm.s32 $0x1  }
0x2: {  	[smem:$0x3F94] =	sst lr;
	_ =	strace $0xD0000000  }
0x3: {  	_ = 	snop  }
0x4: {  	_ = 	snop  }
0x5: {  	_ = 	snop  }
0x6: {  	_ = 	snop  }
0x7: {  	_ = 	snop  }
__scs_overlays_trampoline_lowered:
0x8: {  	[smem:$0x3FA3] =	sst s0  }
0x9: {  	[smem:$0x3FA4] =	sst s1  }
0xa: {  	[smem:$0x3FA5] =	sst s2  }
0xb: {  	[smem:$0x3FA6] =	sst s3  }
0xc: {  	[smem:$0x3FA7] =	sst s4  }
0xd: {  	[smem:$0x3FA8] =	sst s5  }
0xe: {  	[smem:$0x3FA9] =	sst s6  }
0xf: {  	[smem:$0x3FAA] =	sst s7  }
0x10: {  	[smem:$0x3FAB] =	sst s8  }
0x11: {  	[smem:$0x3FAC] =	sst s9;
	s0 =	simm.s32 @!p0 $0x0  }
0x12: {  	s1 =	sld [smem:$0x3F92];
	s0 =	simm.s32 @p0 $0x1  }
0x13: {  	[smem:$0x3FAD] =	sst s0;
	s0 =	simm.s32 @!p1 $0x0  }
0x14: {  	s2 =	sld [smem:$0x3F91];
	s0 =	simm.s32 @p1 $0x1  }
0x15: {  	[smem:$0x3FAE] =	sst s0;
	s0 =	simm.s32 @!p2 $0x0  }
0x16: {  	s3 =	sld [smem:$0x3FDB];
	s0 =	simm.s32 @p2 $0x1  }
0x17: {  	s4 =	simm.s32 $0x1BF5;
	[smem:$0x3FB0] =	sst s0  }
0x18: {  	s0 =	sld [smem:$0x3F93];
	_ =	swait.ge [sflag:s4], $0x0  }
0x19: {  	s7 =	sld [smem:$0x3F94]  }
0x1a: {  	s8 =	sadd.s32 $0xFFFFE003, lr  }
0x1b: {  	s9 =	sadd.s32 $0xFFFFFEF7, lr;
	s5 =	simm.s32 $0xFFFFFFFF;
	p2 =	slt.u32 s8, $0xFFFFF086  }
0x1c: {  	p1 =	slt.u32 s9, $0xF7A;
	s5 =	simm.s32 @!p2 $0x0  }
0x1d: {  	s5 =	simm.s32 @p1 $0x1;
	p0 =	seq.s32 s7, s2  }
0x1e: {  	s7 =	smul.u32 @!p0 $0xF7A, s2;
	p2 =	seq.s32 @!p0 s5, $0x0  }
0x1f: {  	s9 =	smul.u32 $0xF7A, s1;
	s8 =	simm.s32 @!p0 $0x1BF5;
	p2 =	por !p2, p0  }
0x20: {  	[sflag:s8] =	ssyncset.s32 @!p0 $0xFFFFF086;
	s6 =	sadd.s32 @!p0 s3, s7;
	s7 =	simm.s32 @!p0 $0x108  }
0x21: {  	s3 =	sadd.s32 s3, s9;
	s6 =	sadd.s32 @!p0 $0x88, s6;
	s7 =	simm.s32 @p2 $0x1082  }
0x22: {  	[simem:s7], [sflag:s8] =	dma.local @!p0 [hbm:s6], $0xF7A  }
0x23: {  	s9 =	sor.u32 $0xD0000000, s2;
	s6 =	simm.s32 $0x108;
	_ =	swait.ge @!p0 [sflag:s8], $0x0  }
0x24: {  	s3 =	sadd.s32 $0x88, s3;
	s6 =	simm.s32 @!p1 $0x1082;
	[sflag:s4] =	ssyncset.s32 $0xFFFFF086  }
0x25: {  	[simem:s6], [sflag:s4] =	dma.local [hbm:s3], $0xF7A  }
0x26: {  	[smem:$0x3F94] =	sst s1;
	(tag) =	ssettag s2;
	_ =	strace s9  }
0x27: {  	s1 =	sld [smem:$0x3FA4]  }
0x28: {  	s2 =	sld [smem:$0x3FA5]  }
0x29: {  	s4 =	sld [smem:$0x3FA7]  }
0x2a: {  	p0 =	seq.s32 s5, $0x0;
	s5 =	sld [smem:$0x3FA8]  }
0x2b: {  	s6 =	sld [smem:$0x3FA9]  }
0x2c: {  	s7 =	sld [smem:$0x3FAA]  }
0x2d: {  	s3 =	simm.s32 $0x108;
	s8 =	sld [smem:$0x3FAB]  }
0x2e: {  	s3 =	simm.s32 @!p0 $0x1082;
	s9 =	sld [smem:$0x3FAC]  }
0x2f: {  	lr =	sadd.s32 s0, s3;
	s0 =	sld [smem:$0x3FA3]  }
0x30: {  	s3 =	sld [smem:$0x3FA6]  }
0x31: {  	[smem:$0x3FAF] =	sst s10  }
0x32: {  	s10 =	sld [smem:$0x3FAD];
	_ =	sdelay $0x3  }
0x33: {  	p0 =	seq.s32 s10, $0x1;
	s10 =	sld [smem:$0x3FAF];
	_ =	sdelay $0x3  }
0x34: {  	[smem:$0x3FAF] =	sst s10  }
0x35: {  	s10 =	sld [smem:$0x3FAE];
	_ =	sdelay $0x3  }
0x36: {  	p1 =	seq.s32 s10, $0x1;
	s10 =	sld [smem:$0x3FAF];
	_ =	sdelay $0x3  }
0x37: {  	[smem:$0x3FAF] =	sst s10  }
0x38: {  	s10 =	sld [smem:$0x3FB0]  }
0x39: {  	_ = 	snop;
	(pc) =	sbr.ind lr, $3  }
0x3a: {  	_ = 	snop  }
0x3b: {  	_ = 	snop  }
0x3c: {  	p2 =	seq.s32 s10, $0x1;
	s10 =	sld [smem:$0x3FAF]  }
0x3d: {  	_ =	shalt  }
0x3e: {  	_ =	shalt  }
0x3f: {  	_ =	shalt  }
0x40: {  	_ =	shalt  }
0x41: {  	_ =	shalt  }
0x42: {  	_ =	shalt  }
0x43: {  	_ =	shalt  }
0x44: {  	_ =	shalt  }
0x45: {  	_ =	shalt  }
0x46: {  	_ =	shalt  }
0x47: {  	_ =	shalt  }
0x48: {  	_ =	shalt  }
0x49: {  	_ =	shalt  }
0x4a: {  	_ =	shalt  }
0x4b: {  	_ =	shalt  }
0x4c: {  	_ =	shalt  }
0x4d: {  	_ =	shalt  }
0x4e: {  	_ =	shalt  }
0x4f: {  	_ =	shalt  }
0x50: {  	_ =	shalt  }
0x51: {  	_ =	shalt  }
0x52: {  	_ =	shalt  }
0x53: {  	_ =	shalt  }
0x54: {  	_ =	shalt  }
0x55: {  	_ =	shalt  }
0x56: {  	_ =	shalt  }
0x57: {  	_ =	shalt  }
0x58: {  	_ =	shalt  }
0x59: {  	_ =	shalt  }
0x5a: {  	_ =	shalt  }
0x5b: {  	_ =	shalt  }
0x5c: {  	_ =	shalt  }
0x5d: {  	_ =	shalt  }
0x5e: {  	_ =	shalt  }
0x5f: {  	_ =	shalt  }
0x60: {  	_ =	shalt  }
0x61: {  	_ =	shalt  }
0x62: {  	_ =	shalt  }
0x63: {  	_ =	shalt  }
0x64: {  	_ =	shalt  }
0x65: {  	_ =	shalt  }
0x66: {  	_ =	shalt  }
0x67: {  	_ =	shalt  }
0x68: {  	_ =	shalt  }
0x69: {  	_ =	shalt  }
0x6a: {  	_ =	shalt  }
0x6b: {  	_ =	shalt  }
0x6c: {  	_ =	shalt  }
0x6d: {  	_ =	shalt  }
0x6e: {  	_ =	shalt  }
0x6f: {  	_ =	shalt  }
0x70: {  	_ =	shalt  }
0x71: {  	_ =	shalt  }
0x72: {  	_ =	shalt  }
0x73: {  	_ =	shalt  }
0x74: {  	_ =	shalt  }
0x75: {  	_ =	shalt  }
0x76: {  	_ =	shalt  }
0x77: {  	_ =	shalt  }
0x78: {  	_ =	shalt  }
0x79: {  	_ =	shalt  }
0x7a: {  	_ =	shalt  }
0x7b: {  	_ =	shalt  }
0x7c: {  	_ =	shalt  }
0x7d: {  	_ =	shalt  }
0x7e: {  	_ =	shalt  }
0x7f: {  	_ =	shalt  }
0x80: {  	_ =	shalt  }
0x81: {  	_ =	shalt  }
0x82: {  	_ =	shalt  }
0x83: {  	_ =	shalt  }
0x84: {  	_ =	shalt  }
0x85: {  	_ =	shalt  }
0x86: {  	_ =	shalt  }
0x87: {  	_ =	shalt  }
.Lfunc_end0:
.L_simem_size_0:
called_computation_lowered:
.L_overlay_start_0:
0x88: {  	s2 =	sld [smem:$0x3FD9]  }
0x89: {  	s3 =	sld [smem:$0x3FFE];
	_ =	sdelay $0x1  }
0x8a: {  	s1 =	srdreg.scid  }
0x8b: {  	s0 =	sand.u32 $0x1, s1  }
0x8c: {  	s17 =	sshll.u32 s0, $0xA;
	s2 =	sadd.s32 s3, s2  }
0x8d: {  	s2 =	sadd.s32 s2, s17  }
0x8e: {  	[smem:$0x3FBB] =	sst s2  }
0x8f: {  	_ = 	snop  }
0x90: {  	s2 =	sld [smem:$0x3FD0];
	(tm) =	ssettm $0x1  }
0x91: {  	s18 =	sld [smem:$0x3FFB];
	_ =	sdelay $0x3  }
0x92: {  	_ =	strace s18  }
0x93: {  	s3 =	sld [smem:$0x3FFC];
	_ =	sdelay $0x3  }
0x94: {  	_ =	strace s3  }
0x95: {  	s3 =	sld [smem:$0x3FFD];
	_ =	sdelay $0x3  }
0x96: {  	_ =	strace s3  }
0x97: {  	_ =	strace $0x8FFFFFFF  }
0x98: {  	s19 =	sld [smem:$0x3FDB];
	_ =	sdelay $0x1  }
0x99: {  	s4 =	simm.s32 $_scs_section_size  }
0x9a: {  	s5 =	simm.s32 $_size__tile_overlayer_lowered;
	s6 =	simm.s32 $_tile_overlayer_lowered  }
0x9b: {  	s22 =	simm.s32 $0x1BFF;
	s21 =	sshll.u32 s6, $0x1;
	s3 =	sadd.s32 s4, s19  }
0x9c: {  	s7 =	simm.s32 $0x0;
	s20 =	sshll.u32 s5, $0x1;
	s5 =	sadd.s32 s21, s3  }
0x9d: {  	[timem:s7], [sflag:s22] =	dma.local [hbm:s5], s20  }
0x9e: {  	_ =	swait.ge [sflag:s22], s20  }
0x9f: {  	s4 =	ssub.s32 $0x0, s20;
	[sflag:s22] =	ssyncset.done $0x0  }
0xa0: {  	[sflag:s22] =	ssyncadd.s32 s4;
	_ =	sdelay $0x1  }
0xa1: {  	s23 =	simm.s32 $0x1B8B  }
0xa2: {  	_ =	swait.ge [sflag:s23], $0x1  }
0xa3: {  	[sflag:s23] =	ssyncset.done $0x0  }
0xa4: {  	s25 =	simm.s32 $0x1B8E;
	s24 =	sld [smem:$0x3FFE];
	[sflag:s23] =	ssyncadd.s32 $0xFFFFFFFF  }
0xa5: {  	s26 =	simm.s32 $execute0_lowered;
	[smem:$0x3FD2] =	sst s25  }
0xa6: {  	s5 =	sshll.u32 s26, $0x1;
	_ =	strace $0x80000046;
	[dreg:$0x1] =	wrdreg $0xFFFFFFFF  }
0xa7: {  	s28 =	simm.s32 $_size_execute0_lowered;
	s3 =	sadd.s32 s3, s5;
	[dreg:$0x0] =	wrdreg $0x0  }
0xa8: {  	s5 =	sshll.u32 s28, $0x1;
	[dreg:$0x2] =	wrdreg s3  }
0xa9: {  	[dreg:$0x3] =	wrdreg s5  }
0xaa: {  	[dreg:$0x4] =	wrdreg $0xC0  }
0xab: {  	_ =	task [dreg:s7], $0x5FFFF  }
0xac: {  	[dreg:$0x1] =	wrdreg $0xFFFFFFFF  }
0xad: {  	[dreg:$0x0] =	wrdreg $0x60  }
0xae: {  	[dreg:$0x2] =	wrdreg s24  }
0xaf: {  	[dreg:$0x3] =	wrdreg s2  }
0xb0: {  	[dreg:$0x4] =	wrdreg $0x9  }
0xb1: {  	_ =	task.clear_ibuf [dreg:s7], $0x5FFFF;
	_ =	strace $0x90000046  }
0xb2: {  	s29 =	simm.s32 $0x9;
	_ =	strace $0x80000048  }
0xb3: {  	_ =	swait.ge [sflag:s29], $0x1  }
0xb4: {  	[sflag:s29] =	ssyncadd.s32 $0xFFFFFFFF  }
0xb5: {  	_ =	strace $0x90000048  }
0xb6: {  	_ =	sfence  }
0xb7: {  	s30 =	sld [smem:$0x0];
	_ =	sdelay $0x2  }
0xb8: {  	s31 =	sshll.u32 s1, $0xD;
	s1 =	sshrl.u32 s1, $0x2  }
0xb9: {  	s3 =	sand.u32 $0x4000, s31;
	s1 =	sadd.s32 s1, s30  }
0xba: {  	s0 =	sor.u32 s3, s0;
	s1 =	sshll.u32 s1, $0x11  }
0xbb: {  	s0 =	sor.u32 s1, s0  }
0xbc: {  	s0 =	sadd.s32 $0x8F2B, s0  }
0xbd: {  	[sflag:s0] =	ssyncadd.remote.s32 $0x1  }
0xbe: {  	_ =	sfence.sel $0xFFFF  }
0xbf: {  	[dreg:$0x0] =	wrdreg $0xFFFFFFFF;
	(pc) =	sbr.abs _section_cstart, $3  }
0xc0: {  	[dreg:$0x1] =	wrdreg $0xFFFFFFFF  }
0xc1: {  	_ =	task.clear_ibuf [dreg:s7], $0x2FFFF;
	_ =	strace $0x9FFFFFFF  }
0xc2: {  	(tm) =	ssettm $0x7FFFFFFF  }
0xc3: {  	_ =	shalt  }
tec
execute0_lowered:
.L_overlay_start_1:
0x0: {  	(tag) =	ssettag $0x1  }
0x1: {  	s0 =	rddreg [dreg:$0x0]  }
0x2: {  	s1 =	rddreg [dreg:$0x1]  }
0x3: {  	s2 =	simm.s32 $0x0;
	s3 =	srdreg.scid;
	s7 =	stileid.u32  }
0x4: {  	s13 =	simm.s32 $0x80;
	s14 =	simm.s32 $0x400;
	s15 =	simm.s32 $0x2000  }
0x5: {  	s16 =	simm.s32 $0x2;
	s17 =	simm.s32 $0x3000;
	s18 =	simm.s32 $0x4000  }
0x6: {  	s19 =	simm.s32 $0x1;
	s20 =	simm.s32 $0x7180;
	s21 =	simm.s32 $0xF180  }
0x7: {  	s22 =	simm.s32 $0x17180;
	s23 =	simm.s32 $0x0;
	[smem:$0x7FF] =	sst s2  }
0x8: {  	s5 =	sand.u32 $0x1, s3;
	s4 =	sshll.u32 s7, $0x9;
	s3 =	sadd.s32 $0x6E00, s0  }
0x9: {  	s7 =	sshll.u32 s7, $0x3;
	_ =	strace $0x80000047;
	s6 =	sshll.u32 s5, $0x8  }
0xa: {  	s30 =	sand.u32 $0x70, s7;
	s5 =	ssub.s32 $0x2, s5;
	s4 =	sor.u32 s6, s4  }
.Ltmp0:
0xb: {  	s7 =	sadd.s32 s30, s0;
	s31 =	sshrl.u32 s5, $0x1;
	(pc) =	sbr.rel .LBB2_1-.Ltmp0, $4  }
0xc: {  	s9 =	sshll.u32 s4, $0x4;
	s12 =	ssub.s32 s5, s31;
	s5 =	sadd.s32 $0x5E00, s7  }
0xd: {  	s8 =	sshll.u32 s4, $0x9;
	s6 =	sadd.s32 $0x4E00, s7;
	s7 =	sadd.s32 $0x3E00, s7  }
0xe: {  	v0 =	vlaneseq.u32;
	s0 =	sadd.s32 s9, s0;
	s8 =	sadd.s32 s3, s8;
	s9 =	sadd.s32 s1, s9  }
0xf: {  	v1 =	vimm.s32 $0x0;
	v2 =	vor.u32 $0x10, v0;
	s12 =	smax.u32 s12, $0x1;
	s10 =	sadd.s32 $0x406E00, s0;
	s11 =	sadd.s32 $0x426E00, s0  }
.LBB2_21:
0x10: {  	[hbm4b:s9+s2] =	stream.linear.scatter [tilespmem:s20], [sflag:$0x2], $0x8000, $0x38;
	[tilespmem:$0x1F180] =	vst v63  }
0x11: {  	_ =	swait.ge [sflag:s16], $0x8000  }
0x12: {  	[sflag:s16] =	ssyncset.done $0x0  }
0x13: {  	[sflag:s16] =	ssyncadd.s32 $0xFFFF8000  }
0x14: {  	[hbm4b:s10+s2] =	stream.linear.scatter [tilespmem:s21], [sflag:$0x2], $0x8000, $0x38;
	[tilespmem:$0x1F180] =	vst v63  }
0x15: {  	s23 =	sadd.s32 $0x1, s23;
	_ =	swait.ge [sflag:s16], $0x8000  }
0x16: {  	p0 =	sne.s32 s23, s12;
	[sflag:s16] =	ssyncset.done $0x0  }
.Ltmp1:
0x17: {  	[sflag:s16] =	ssyncadd.s32 $0xFFFF8000;
	(pc) =	sbr.rel @!p0 .LBB2_22-.Ltmp1, $4  }
0x18: {  	[hbm4b:s11+s2] =	stream.linear.scatter [tilespmem:s22], [sflag:$0x2], $0x8000, $0x38;
	[tilespmem:$0x1F180] =	vst v63  }
0x19: {  	_ =	swait.ge [sflag:s16], $0x8000  }
0x1a: {  	[sflag:s16] =	ssyncset.done $0x0  }
0x1b: {  	[sflag:s16] =	ssyncadd.s32 $0xFFFF8000  }
.LBB2_1:
0x1c: {  	[tilespmem:s15], [sflag:$0x2] =	stream.strided.gather [hbm4b:s5+s13], $0x1000, s14, s13, $0x38;
	[tilespmem:$0x1F180] =	vst v63  }
0x1d: {  	_ =	swait.ge [sflag:s16], $0x1000  }
0x1e: {  	[sflag:s16] =	ssyncset.done $0x0  }
0x1f: {  	[sflag:s16] =	ssyncadd.s32 $0xFFFFF000  }
0x20: {  	[tilespmem:s17], [sflag:$0x2] =	stream.strided.gather [hbm4b:s6+s13], $0x1000, s14, s13, $0x38;
	[tilespmem:$0x1F180] =	vst v63  }
0x21: {  	_ =	swait.ge [sflag:s16], $0x1000  }
0x22: {  	[sflag:s16] =	ssyncset.done $0x0  }
0x23: {  	[sflag:s16] =	ssyncadd.s32 $0xFFFFF000  }
0x24: {  	[tilespmem:s18], [sflag:$0x2] =	stream.strided.gather [hbm4b:s7+s13], $0x1000, s14, s13, $0x38;
	[tilespmem:$0x1F180] =	vst v63  }
0x25: {  	_ =	swait.ge [sflag:s16], $0x1000  }
0x26: {  	[sflag:s16] =	ssyncset.done $0x0  }
0x27: {  	s0 =	sadd.s32 $0x0, s8;
	[sflag:s16] =	ssyncadd.s32 $0xFFFFF000  }
0x28: {  	[tilespmem:s2], [sflag:$0x1] =	stream.linear.gather [hbm4b:s0+s2], $0x80, $0x38;
	[tilespmem:$0x1F180] =	vst v63  }
0x29: {  	s1 =	simm.s32 $0x0;
	s0 =	simm.s32 $0x80  }
.LBB2_2:
0x2a: {  	p0 =	sne.s32 s0, $0xF80  }
.Ltmp2:
0x2b: {  	_ = 	snop;
	(pc) =	sbr.rel @p0 .LBB2_2-.Ltmp2, $4  }
0x2c: {  	_ = 	snop  }
0x2d: {  	s25 =	sadd.s32 s0, s8;
	s1 =	sadd.s32 $0x100, s1  }
0x2e: {  	s24 =	simm.s32 $0x0;
	s0 =	sadd.s32 $0x80, s0  }
0x2f: {  	[tilespmem:s1], [sflag:$0x1] =	stream.linear.gather [hbm4b:s25+s24], $0x80, $0x38;
	[tilespmem:$0x1F180] =	vst v63  }
.Ltmp3:
0x30: {  	_ = 	snop;
	(pc) =	sbr.rel .LBB2_3-.Ltmp3, $1  }
0x31: {  	_ =	sdelay $0x3  }
.LBB2_19:
0x32: {  	[tilespmem:$0x5000] =	vst v3  }
.LBB2_20:
0x33: {  	_ =	sdelay $0x2  }
0x34: {  	[tilespmem:$0x5010] =	vst v4  }
0x35: {  	v4 =	vld.idx.msk [tilespmem:v3+s15+$0x0], $0xffff;
	_ =	sdelay $0x4  }
0x36: {  	[tilespmem:s25+$0x7180] =	vst v4  }
0x37: {  	v4 =	vld.idx.msk [tilespmem:v3+s17+$0x0], $0xffff;
	_ =	sdelay $0x4  }
0x38: {  	[tilespmem:s25+$0xF180] =	vst v4  }
0x39: {  	v3 =	vld.idx.msk [tilespmem:v3+s18+$0x0], $0xffff;
	_ =	sdelay $0x4  }
0x3a: {  	[tilespmem:s25+$0x17180] =	vst v3  }
0x3b: {  	v3 =	vld [tilespmem:$0x5010];
	_ =	sdelay $0x7  }
0x3c: {  	v4 =	vld.idx.msk [tilespmem:v3+s15+$0x0], $0xffff;
	_ =	sdelay $0x4  }
0x3d: {  	[tilespmem:s25+$0x7190] =	vst v4  }
0x3e: {  	v4 =	vld.idx.msk [tilespmem:v3+s17+$0x0], $0xffff;
	_ =	sdelay $0x4  }
0x3f: {  	s24 =	sadd.s32 $0x1, s24;
	[tilespmem:s25+$0xF190] =	vst v4  }
0x40: {  	p0 =	sne.s32 s24, $0x100;
	v3 =	vld.idx.msk [tilespmem:v3+s18+$0x0], $0xffff  }
.Ltmp4:
0x41: {  	_ = 	snop;
	(pc) =	sbr.rel @!p0 .LBB2_21-.Ltmp4, $2  }
0x42: {  	_ =	sdelay $0x2  }
0x43: {  	[tilespmem:s25+$0x17190] =	vst v3  }
.LBB2_3:
0x44: {  	p0 =	seq.s32 s24, $0xFF  }
.Ltmp5:
0x45: {  	_ = 	snop;
	(pc) =	sbr.rel @!p0 .LBB2_5-.Ltmp5, $4  }
0x46: {  	_ = 	snop  }
0x47: {  	_ =	swait.ge [sflag:s19], $0x1000  }
0x48: {  	[sflag:s19] =	ssyncset.done $0x0  }
0x49: {  	[sflag:s19] =	ssyncadd.s32 $0xFFFFF000  }
.Ltmp6:
0x4a: {  	(pc) =	sbr.rel .LBB2_8-.Ltmp6, $2  }
0x4b: {  	_ =	sdelay $0x2  }
0x4c: {  	s25 =	simm.s32 $0x7F80;
	s26 =	simm.s32 $0x80  }
.LBB2_5:
0x4d: {  	s0 =	sor.u32 s4, s24  }
0x4e: {  	s0 =	sadd.s32 $0x1, s0  }
0x4f: {  	s1 =	sshll.u32 s0, $0x4  }
0x50: {  	s25 =	sshll.u32 s24, $0x7;
	s0 =	sshll.u32 s0, $0x9;
	s1 =	sand.u32 $0x70, s1  }
0x51: {  	s26 =	sand.u32 $0x80, s25;
	s28 =	sand.u32 $0xFFFF000, s0;
	s1 =	sadd.s32 s3, s1  }
0x52: {  	s0 =	sxor.u32 $0x80, s26;
	s1 =	sadd.s32 s28, s1  }
0x53: {  	s29 =	sadd.s32 $0x100, s0;
	s28 =	simm.s32 $0x80;
	s30 =	sadd.s32 $0x0, s1  }
.LBB2_6:
0x54: {  	[tilespmem:s0], [sflag:$0x1] =	stream.linear.gather [hbm4b:s30+s2], $0x80, $0x38;
	[tilespmem:$0x1F180] =	vst v63  }
0x55: {  	s30 =	smov.u32 s28;
	s0 =	smov.u32 s29;
	p0 =	sne.s32 s28, $0xF80  }
.Ltmp7:
0x56: {  	s28 =	sadd.s32 $0x80, s28;
	(pc) =	sbr.rel @p0 .LBB2_6-.Ltmp7, $2  }
0x57: {  	_ =	sdelay $0x2  }
0x58: {  	s29 =	sadd.s32 $0x100, s29;
	s30 =	sadd.s32 s30, s1  }
0x59: {  	[tilespmem:s0], [sflag:$0x1] =	stream.linear.gather [hbm4b:s30+s2], $0x80, $0x38;
	[tilespmem:$0x1F180] =	vst v63  }
.LBB2_8:
0x5a: {  	s28 =	simm.s32 $0x0  }
0x5b: {  	s0 =	sand.u32 $0x1F00, s28  }
0x5c: {  	s1 =	sand.u32 $0x70, s28;
	s0 =	sor.u32 s0, s26  }
0x5d: {  	s0 =	sadd.s32 s1, s0  }
0x5e: {  	v3 =	vld [tilespmem:s0+$0x0];
	_ =	sdelay $0x4  }
0x5f: {  	vm0 =	vlt.f32 v3, $3.999999910e-02  }
0x60: {  	v4 =	vsel vm0, $0x1, v1  }
0x61: {  	(xrf0) =	vadd.scan.msk.s32 $0xffff, v4;
	_ =	sdelay $0x5  }
0x62: {  	s30 =	simm.s32 $0x20;
	v4 =	vor.u32 s28, v0;
	v5, _, _ =	vpop (xrf0)  }
0x63: {  	s29 =	simm.s32 $0x10;
	s31 =	simm.s32 $0x20;
	s0 =	sand.u32 $0x1F00, s30;
	[tilespmem:s28+$0x5080] =	vst.msk vm0, v4;
	(v2sf) =	vpush v5, $0xF  }
.LBB2_9:
0x64: {  	p0 =	sne.s32 s31, $0xFF0;
	s1 =	sand.u32 $0x70, s29;
	s0 =	sor.u32 s0, s26;
	[tilespmem:s28+$0x6100] =	vst.msk vm0, v3  }
0x65: {  	s0 =	sadd.s32 s1, s0  }
0x66: {  	v3 =	vld [tilespmem:s0+$0x0];
	_ =	sdelay $0x4  }
0x67: {  	vm0 =	vlt.f32 v3, $3.999999910e-02  }
0x68: {  	v4 =	vsel vm0, $0x1, v1  }
0x69: {  	(xrf0) =	vadd.scan.msk.s32 $0xffff, v4;
	_ =	sdelay $0x2  }
.Ltmp8:
0x6a: {  	(pc) =	sbr.rel @p0 .LBB2_9-.Ltmp8, $4  }
0x6b: {  	_ = 	snop  }
0x6c: {  	s0 =	spop (v2sf)  }
0x6d: {  	s30 =	sadd.s32 $0x20, s30;
	v4 =	vor.u32 s29, v0;
	s29 =	smov.u32 s31;
	v5, _, _ =	vpop (xrf0);
	s28 =	sadd.s32 s28, s0  }
0x6e: {  	s31 =	sadd.s32 $0x10, s31;
	s0 =	sand.u32 $0x1F00, s30;
	[tilespmem:s28+$0x5080] =	vst.msk vm0, v4;
	(v2sf) =	vpush v5, $0xF  }
0x6f: {  	s1 =	sand.u32 $0x70, s29;
	s0 =	sor.u32 s0, s26  }
0x70: {  	[tilespmem:s28+$0x6100] =	vst.msk vm0, v3;
	s0 =	sadd.s32 s1, s0  }
0x71: {  	v3 =	vld [tilespmem:s0+$0x0];
	_ =	sdelay $0x4  }
0x72: {  	vm15 =	vlt.f32 v3, $3.999999910e-02  }
0x73: {  	v4 =	vsel vm15, $0x1, v1  }
0x74: {  	(xrf0) =	vadd.scan.msk.s32 $0xffff, v4;
	_ =	sdelay $0x5  }
0x75: {  	v4, _, _ =	vpop (xrf0)  }
0x76: {  	(v2sf) =	vpush v4, $0xF;
	_ =	sdelay $0xd  }
0x77: {  	s30 =	spop (v2sf)  }
0x78: {  	s0 =	sadd.s32 s28, s30;
	s31 =	spop (v2sf)  }
0x79: {  	s28 =	sadd.s32 s0, s31  }
0x7a: {  	p0 =	sgt.s32 s28, $0x1F  }
.Ltmp9:
0x7b: {  	_ = 	snop;
	(pc) =	sbr.rel @p0 .LBB2_12-.Ltmp9, $4  }
0x7c: {  	_ = 	snop  }
0x7d: {  	v63 =	vor.u32 s29, v0  }
0x7e: {  	[tilespmem:s0+$0x5080] =	vst.msk vm15, v63  }
0x7f: {  	[tilespmem:s0+$0x6100] =	vst.msk vm15, v3  }
0x80: {  	v3 =	vld [tilespmem:s26+$0x0];
	_ =	sdelay $0x4  }
0x81: {  	vm0 =	vge.f32 v3, $3.999999910e-02  }
0x82: {  	v3 =	vsel vm0, $0x1, v1  }
0x83: {  	(xrf0) =	vadd.scan.msk.s32 $0xffff, v3;
	_ =	sdelay $0x5  }
0x84: {  	v4, _, _ =	vpop (xrf0)  }
0x85: {  	s0 =	ssub.s32 $0x20, s28;
	v3 =	vsub.s32 v4, v3  }
0x86: {  	vm1 =	vlt.s32 v3, s0  }
0x87: {  	vm0 =	vmand vm0, vm1  }
0x88: {  	v3 =	vsel vm0, $0x1, v1  }
0x89: {  	(xrf0) =	vadd.scan.msk.s32 $0xffff, v3;
	_ =	sdelay $0x5  }
0x8a: {  	[tilespmem:s28+$0x5080] =	vst.msk vm0, v0;
	v3, _, _ =	vpop (xrf0)  }
0x8b: {  	(v2sf) =	vpush v3, $0xF;
	v3 =	vld [tilespmem:s26+$0x10];
	_ =	sdelay $0x4  }
0x8c: {  	vm14 =	vge.f32 v3, $3.999999910e-02  }
0x8d: {  	v3 =	vsel vm14, $0x1, v1  }
0x8e: {  	(xrf0) =	vadd.scan.msk.s32 $0xffff, v3;
	_ =	sdelay $0x3  }
0x8f: {  	v3 =	vbroadcast v4, $0xF  }
0x90: {  	v4 =	vsel vm14, $0xFFFFFFFF, v1  }
0x91: {  	v3 =	vadd.s32 v4, v3;
	v5, _, _ =	vpop (xrf0)  }
0x92: {  	v3 =	vadd.s32 v5, v3  }
0x93: {  	s1 =	sadd.s32 $0x5080, s28;
	s30 =	spop (v2sf);
	vm15 =	vlt.s32 v3, s0  }
0x94: {  	vm0 =	vmand vm14, vm15;
	s31 =	sadd.s32 s30, s1  }
0x95: {  	[tilespmem:s31+$0x0] =	vst.msk vm0, v2  }
0x96: {  	v3 =	vld [tilespmem:$0x5080]  }
.Ltmp10:
0x97: {  	_ = 	snop;
	(pc) =	sbr.rel .LBB2_20-.Ltmp10, $3  }
0x98: {  	_ =	sdelay $0x1  }
0x99: {  	v4 =	vld [tilespmem:$0x5090]  }
0x9a: {  	[tilespmem:$0x5000] =	vst v3  }
.LBB2_12:
0x9b: {  	s0 =	sadd.s32 $0xF, s28  }
0x9c: {  	s1 =	sand.u32 $0xF, s0  }
0x9d: {  	s31 =	sshra.s32 s0, $0x1F;
	p1 =	slt.s32 s0, $0x0;
	p0 =	sne.s32 s1, $0x0  }
.Ltmp11:
0x9e: {  	s1 =	sshrl.u32 s31, $0x1C;
	p0 =	por !p1, !p0;
	(pc) =	sbr.rel .LBB2_13-.Ltmp11, $4  }
0x9f: {  	s0 =	sadd.s32 s1, s0;
	s1 =	simm.s32 $0x1;
	p0 =	por !p0, !p0  }
0xa0: {  	s0 =	sshra.s32 s0, $0x4;
	s1 =	simm.s32 @!p0 $0x0  }
0xa1: {  	s26 =	ssub.s32 s0, s1  }
0xa2: {  	v5 =	vmov s28;
	s28 =	simm.s32 $0x0;
	v4 =	vimm.s32 $0x0;
	v3 =	vimm.s32 $0x0;
	s29 =	simm.s32 $0x0;
	p0 =	slt.s32 s26, $0x1  }
.LBB2_14:
0xa3: {  	v8 =	vimm.s32 $0xC0000000  }
.LBB2_18:
0xa4: {  	(xrf0) =	vmin.scan.msk.f32 $0xffff, v7;
	_ =	sdelay $0x5  }
0xa5: {  	v9, _, _ =	vpop (xrf0)  }
0xa6: {  	v9 =	vbroadcast v9, $0xF;
	_ =	sdelay $0x1  }
0xa7: {  	vm0 =	veq.f32 v7, v9;
	v7 =	vxor.u32 $0x80000000, v6  }
0xa8: {  	v7 =	vnsel vm0, $0xC0000000, v7  }
0xa9: {  	(xrf0) =	vmin.scan.msk.u32 $0xffff, v7;
	_ =	sdelay $0x5  }
0xaa: {  	v7, _, _ =	vpop (xrf0)  }
0xab: {  	(v2sf) =	vpush v7, $0xF;
	_ =	sdelay $0xe  }
0xac: {  	s0 =	spop (v2sf)  }
0xad: {  	s0 =	sxor.u32 $0x80000000, s0  }
0xae: {  	vm1 =	veq.s32 v6, s0  }
0xaf: {  	vm0 =	vmand vm0, vm1  }
0xb0: {  	v6 =	vnsel vm0, $0xC0000000, v8  }
0xb1: {  	(xrf0) =	vmin.scan.msk.u32 $0xffff, v6;
	_ =	sdelay $0x5  }
0xb2: {  	v6, _, _ =	vpop (xrf0)  }
0xb3: {  	(v2sf) =	vpush v6, $0xF;
	_ =	sdelay $0xe  }
0xb4: {  	s1 =	spop (v2sf)  }
0xb5: {  	s30 =	sxor.u32 $0x80000000, s1  }
0xb6: {  	p2 =	sgt.s32 s1, $0xFFFFFFFF;
	s1 =	sand.u32 $0xF, s1;
	p1 =	slt.s32 s30, $0x1  }
0xb7: {  	s31 =	sshra.s32 s30, $0x1F;
	p6 =	sne.s32 s1, $0x0;
	p1 =	por p2, p1  }
0xb8: {  	s31 =	sshrl.u32 s31, $0x1C;
	p1 =	por !p6, !p1  }
0xb9: {  	s1 =	sadd.s32 s31, s30;
	s31 =	simm.s32 $0x1;
	p1 =	por !p1, !p1  }
0xba: {  	s1 =	sshrl.u32 s1, $0x4;
	s31 =	simm.s32 @!p1 $0x0  }
0xbb: {  	s1 =	ssub.s32 s1, s31  }
0xbc: {  	s1 =	sshll.u32 s1, $0x4  }
0xbd: {  	v7 =	vmov s29;
	s31 =	sadd.s32 $0xFFFFFFF0, s29;
	s29 =	sadd.s32 $0x1, s29;
	v6 =	vld [tilespmem:s1+$0x6100]  }
0xbe: {  	p1 =	sne.s32 s29, $0x20  }
.Ltmp12:
0xbf: {  	s30 =	ssub.s32 s30, s1;
	(pc) =	sbr.rel @!p1 .LBB2_19-.Ltmp12, $4  }
0xc0: {  	v62 =	vmov s30  }
0xc1: {  	v63 =	vmov s31;
	vm13 =	veq.s32 v62, v0  }
0xc2: {  	vm14 =	veq.s32 v7, v0;
	vm15 =	veq.s32 v63, v0;
	v6 =	vsel vm13, $0x7F61B1E6, v6  }
0xc3: {  	v3 =	vsel vm14, s0, v3;
	v4 =	vsel vm15, s0, v4;
	[tilespmem:s1+$0x6100] =	vst v6  }
.LBB2_13:
.Ltmp13:
0xc4: {  	(pc) =	sbr.rel @p0 .LBB2_14-.Ltmp13, $2  }
0xc5: {  	_ =	sdelay $0x2  }
0xc6: {  	v7 =	vimm.f32 $3.000000010e+38;
	v6 =	vimm.s32 $0x40000000  }
0xc7: {  	s0 =	simm.s32 $0x6100  }
0xc8: {  	s30 =	simm.s32 $0x5080;
	p1 =	sne.s32 s26, $0x1;
	v9 =	vld [tilespmem:s0+$0x0]  }
.Ltmp14:
0xc9: {  	v11 =	vld [tilespmem:s30+$0x0];
	(pc) =	sbr.rel @!p1 .LBB2_17-.Ltmp14, $3  }
0xca: {  	_ =	sdelay $0x1  }
0xcb: {  	v8 =	vor.u32 s28, v0  }
0xcc: {  	s31 =	sadd.s32 $0xFFFFFFFF, s26;
	s1 =	simm.s32 $0x0;
	v10 =	vimm.s32 $0x40000000;
	vm0 =	vlt.s32 v8, v5;
	s0 =	simm.s32 $0x6110  }
.LBB2_16:
0xcd: {  	v12 =	vnsel vm0, $0x7F61B1E6, v9;
	v9 =	vld [tilespmem:s0+$0x0];
	v13 =	vnsel vm0, $0x40000000, v11;
	s30 =	sadd.s32 $0x10, s30;
	p1 =	sne.s32 s31, $0x1  }
.Ltmp15:
0xce: {  	s31 =	sadd.s32 $0xFFFFFFFF, s31;
	v11 =	vld [tilespmem:s30+$0x0];
	vm0 =	veq.f32 v12, v7;
	vm1 =	vlt.s32 v13, v6;
	(pc) =	sbr.rel @p1 .LBB2_16-.Ltmp15, $4  }
0xcf: {  	vm2 =	vlt.f32 v12, v7;
	vm0 =	vmand vm0, vm1  }
0xd0: {  	s1 =	sadd.s32 $0x10, s1;
	vm1 =	vmor vm2, vm0  }
0xd1: {  	v14 =	vor.u32 s1, v0;
	v7 =	vsel vm1, v12, v7;
	v6 =	vsel vm1, v13, v6  }
0xd2: {  	s0 =	sadd.s32 $0x10, s0;
	vm0 =	vlt.s32 v14, v5;
	v10 =	vsel vm1, v8, v10;
	v8 =	vmov v14  }
.LBB2_17:
0xd3: {  	v9 =	vnsel vm0, $0x7F61B1E6, v9;
	v11 =	vnsel vm0, $0x40000000, v11  }
.Ltmp16:
0xd4: {  	vm15 =	veq.f32 v9, v7;
	vm1 =	vlt.s32 v11, v6;
	(pc) =	sbr.rel .LBB2_18-.Ltmp16, $4  }
0xd5: {  	vm2 =	vlt.f32 v9, v7;
	vm0 =	vmand vm15, vm1  }
0xd6: {  	vm0 =	vmor vm2, vm0  }
0xd7: {  	v8 =	vsel vm0, v8, v10  }
0xd8: {  	v7 =	vsel vm0, v9, v7;
	v6 =	vsel vm0, v11, v6;
	v8 =	vxor.u32 $0x80000000, v8  }
.LBB2_22:
0xd9: {  	_ =	sfence.sel $0x180000  }
0xda: {  	[bflag:$0x0] =	sbarrier.arrive $0xFFFF  }
0xdb: {  	_ =	strace $0x90000047  }
0xdc: {  	s0 =	stileid.u32;
	[bflag:$0x2] =	sbarrier.arrive $0xFFFF  }
0xdd: {  	p0 =	sne.s32 s0, $0x0;
	s0 =	rddreg [dreg:$0x2]  }
0xde: {  	s0 =	sadd.s32 @!p0 $0x100000, s0  }
0xdf: {  	[sflag:s0] =	ssyncadd.tile.s32 @!p0 $0x1;
	_ =	shalt  }
.Lfunc_end2:
_tile_overlayer_lowered:
.L_overlay_start_2:
0xe0: {  	(tag) =	ssettag $0x2  }
0xe1: {  	s0 =	rddreg [dreg:$0x0];
	s2 =	stileid.u32  }
0xe2: {  	s1 =	rddreg [dreg:$0x1];
	p0 =	sne.s32 s2, $0x0  }
0xe3: {  	s3 =	rddreg [dreg:$0x2];
	[bflag:$0x3] =	sbarrier.arrive $0xFFFF;
	s2 =	simm.s32 @!p0 $0x1C02  }
0xe4: {  	[timem:s3], [sflag:s2] =	dma.local @!p0 [hbm:s0], s1  }
0xe5: {  	s0 =	simm.s32 @!p0 $0x2  }
0xe6: {  	_ =	swait.ge @!p0 [sflag:s0], s1  }
0xe7: {  	s1 =	ssub.s32 @!p0 $0x0, s1;
	[sflag:s0] =	ssyncset.done @!p0 $0x0  }
0xe8: {  	[sflag:s0] =	ssyncadd.s32 @!p0 s1  }
0xe9: {  	[bflag:$0x3] =	sbarrier.arrive $0xFFFF  }
0xea: {  	_ =	shalt  }

</sc_bundles>
